<compile_context>
chip_gen: v7x
topology: tpu7x:2x2x1
jax: 0.10.2.dev20260603
libtpu: 0.0.44.dev20260713+nightly
codegen_flags: <defaults>
</compile_context>

<pallas_src>
import functools

import jax
import jax.numpy as jnp
from jax import lax
from jax.experimental import pallas as pl
from jax.experimental.pallas import tpu as pltpu
from jax.experimental.pallas import tpu_sc as plsc

NC = 2
NS = 16
NW = NC * NS
CHUNK = 128
PCOL = 4
BLK = 2048


def _make_gather(n_rows, d):
  rows_per_w = n_rows // NW
  n_chunks = rows_per_w // CHUNK
  wg = NW // PCOL
  mesh = plsc.VectorSubcoreMesh(core_axis_name="c", subcore_axis_name="s")

  @functools.partial(
      pl.kernel,
      out_type=jax.ShapeDtypeStruct((n_rows // PCOL, PCOL * d), jnp.float32),
      mesh=mesh,
      scratch_types=[
          pltpu.VMEM((n_chunks, CHUNK), jnp.int32),
          pltpu.VMEM((CHUNK, d), jnp.float32),
          pltpu.SemaphoreType.DMA,
      ],
      compiler_params=pltpu.CompilerParams(use_tc_tiling_on_sc=False),
  )
  def gather(table_hbm, idx_hbm, out_hbm, idx_v, rows_v, sem):
    wid = lax.axis_index("s") * NC + lax.axis_index("c")
    p = wid // wg
    r0 = (wid % wg) * rows_per_w
    pltpu.sync_copy(idx_hbm.at[wid], idx_v)

    def body(c, _):
      pltpu.async_copy(table_hbm.at[idx_v.at[c]], rows_v, sem).wait()
      pltpu.sync_copy(
          rows_v,
          out_hbm.at[pl.ds(r0 + c * CHUNK, CHUNK), pl.ds(p * d, d)])
      return ()

    lax.fori_loop(0, n_chunks, body, (), unroll=False)

  return gather


CB = 8192
SUB = CB // PCOL


def _to_packed(embT):
  d, n = embT.shape
  grid = pl.cdiv(n, CB)

  def body(in_ref, o_ref):
    t = in_ref[...].T
    for a in range(PCOL):
      o_ref[:, d * a:d * (a + 1)] = t[a * SUB:(a + 1) * SUB, :]

  return pl.pallas_call(
      body,
      grid=(grid,),
      in_specs=[pl.BlockSpec((d, CB), lambda i: (0, i))],
      out_specs=pl.BlockSpec((SUB, PCOL * d), lambda i: (i, 0)),
      out_shape=jax.ShapeDtypeStruct((grid * SUB, PCOL * d), jnp.float32),
      compiler_params=pltpu.CompilerParams(
          dimension_semantics=("arbitrary",)),
  )(embT)


def _project_slab(e4, wt, out_prev, q, nch):
  n4, lanes = e4.shape
  d = lanes // PCOL
  m = wt.shape[1]
  grid = n4 // BLK

  def body(*refs):
    e_ref, w_ref = refs[0], refs[1]
    o_ref = refs[-1]
    for p in range(PCOL):
      o_ref[0, p, :, :] = lax.dot_general(
          e_ref[:, p * d:(p + 1) * d], w_ref[...],
          (((1,), (0,)), ((), ())), preferred_element_type=jnp.float32)

  in_specs = [
      pl.BlockSpec((BLK, lanes), lambda i: (i, 0)),
      pl.BlockSpec((d, m), lambda i: (0, 0)),
  ]
  args = [e4, wt]
  aliases = {}
  if out_prev is not None:
    in_specs.append(pl.BlockSpec(memory_space=pl.ANY))
    args.append(out_prev)
    aliases = {2: 0}
  return pl.pallas_call(
      body,
      grid=(grid,),
      in_specs=in_specs,
      out_specs=pl.BlockSpec((1, PCOL, BLK, m), lambda i, q=q: (q, 0, i, 0)),
      out_shape=jax.ShapeDtypeStruct((nch, PCOL, n4, m), jnp.float32),
      input_output_aliases=aliases,
      compiler_params=pltpu.CompilerParams(
          dimension_semantics=("arbitrary",)),
  )(*args)


NCH = 4


@jax.jit
def kernel(x, emb, W):
  b, f = x.shape
  n = b * f
  d = emb.shape[1]
  m = W.shape[0]
  xt = x.T
  jdx = (((xt // CB) * SUB + xt % SUB) * PCOL + (xt % CB) // SUB).reshape(n)
  packed = _to_packed(emb.T)
  table = packed.reshape(packed.shape[0] * PCOL, d)
  nq = n // NCH
  gather_fn = _make_gather(nq, d)
  wt = W.T
  out = None
  for q in range(NCH):
    idx_q = jdx[q * nq:(q + 1) * nq].reshape(NW, nq // NW // CHUNK, CHUNK)
    e4q = gather_fn(table, idx_q)
    out = _project_slab(e4q, wt, out, q, NCH)
  return out.reshape(f, b, m).transpose(1, 0, 2)

# --- scband reference (transcript-rebuilt; emitter-appended) ---
"""Pipeline reference for scband-factorized-embedding-49065706390102 (READ-ONLY COPY).

The authoritative reference and input builder live on the scoring server;
editing this copy changes nothing except your own understanding.
"""

import jax, jax.numpy as jnp
import numpy as np

NUM_EMBEDDINGS = 1000000
EMBEDDING_DIM = 128
K = 32
B = 16384
F = 26

def setup_inputs(seed: int = 0) -> dict:
    key = jax.random.key(seed)
    k1, k2, k3 = jax.random.split(key, 3)
    x = jax.random.randint(k1, (B, F), 0, NUM_EMBEDDINGS, dtype=jnp.int64 if jax.config.jax_enable_x64 else jnp.int32).astype(jnp.int32)
    emb = jax.random.normal(k2, (NUM_EMBEDDINGS, K), dtype=jnp.float32)
    # torch nn.Linear(K, embedding_dim, bias=False): weight shape [embedding_dim, K]
    bound = 1.0 / np.sqrt(K)
    W = jax.random.uniform(k3, (EMBEDDING_DIM, K), minval=-bound, maxval=bound, dtype=jnp.float32)
    return {"x": x, "emb": emb, "W": W}

def reference(x, emb, W):
    # emb lookup: gather rows -> [B, F, K]
    e = jnp.take(emb, x, axis=0)
    # linear projection without bias: [B, F, K] @ [K, embedding_dim]
    out = e @ W.T
    return out

if __name__ == "__main__":
    import jax
    _d = setup_inputs()
    print(jax.jit(kernel)(*tuple(_d.values())))

</pallas_src>

<mosaic_0001>
#map = affine_map<(d0, d1) -> (0, 0)>
#map1 = affine_map<(d0, d1) -> (0, 0, 0)>
module attributes {stable_mosaic.version = 14 : i64} {
  func.func @gather(%arg0: i32, %arg1: i32, %arg2: memref<1007616x32xf32, #tpu.memory_space<hbm>>, %arg3: memref<32x26x128xi32, #tpu.memory_space<hbm>>, %arg4: memref<26624x128xf32, #tpu.memory_space<hbm>>, %arg5: memref<26x128xi32, #tpu.memory_space<vmem>>, %arg6: memref<128x32xf32, #tpu.memory_space<vmem>>, %arg7: memref<!tpu.dma_semaphore, #tpu.memory_space<semaphore_mem>>) attributes {dimension_semantics = [#tpu.dimension_semantics<core_parallel>, #tpu.dimension_semantics<subcore_parallel>], iteration_bounds = array<i64: 2, 16>, scalar_prefetch = 0 : i64, scratch_operands = 3 : i64, tpu.core_type = #tpu.core_type<sc_vector_subcore>, window_params = [{transform_indices = #map}, {transform_indices = #map1}, {transform_indices = #map}]} {
    %mul3A = arith.constant 2 : i32
    %mul3A_0 = arith.muli %arg1, %mul3A : i32
    %add3A = arith.addi %mul3A_0, %arg0 : i32
    %jit3A = arith.constant 8 : i32
    %div3A = arith.divsi %add3A, %jit3A : i32
    %sign3A = arith.constant 0 : i32
    %sign3A_1 = arith.cmpi sgt, %add3A, %sign3A : i32
    %sign3A_2 = arith.extui %sign3A_1 : i1 to i32
    %sign3A_3 = arith.constant 0 : i32
    %sign3A_4 = arith.cmpi slt, %add3A, %sign3A_3 : i32
    %sign3A_5 = arith.extui %sign3A_4 : i1 to i32
    %sign3A_6 = arith.subi %sign3A_2, %sign3A_5 : i32
    %sign3A_7 = arith.constant 0 : i32
    %sign3A_8 = arith.cmpi sgt, %jit3A, %sign3A_7 : i32
    %sign3A_9 = arith.extui %sign3A_8 : i1 to i32
    %sign3A_10 = arith.constant 0 : i32
    %sign3A_11 = arith.cmpi slt, %jit3A, %sign3A_10 : i32
    %sign3A_12 = arith.extui %sign3A_11 : i1 to i32
    %sign3A_13 = arith.subi %sign3A_9, %sign3A_12 : i32
    %ne3A = arith.cmpi ne, %sign3A_6, %sign3A_13 : i32
    %rem3A = arith.remsi %add3A, %jit3A : i32
    %ne3A_14 = arith.constant 0 : i32
    %ne3A_15 = arith.cmpi ne, %rem3A, %ne3A_14 : i32
    %and3A = arith.andi %ne3A, %ne3A_15 : i1
    %sub3A = arith.constant 1 : i32
    %sub3A_16 = arith.subi %div3A, %sub3A : i32
    %select_n3A = arith.select %and3A, %sub3A_16, %div3A : i32
    %jit3A_17 = arith.constant 8 : i32
    %eq3A = arith.constant 0 : i32
    %eq3A_18 = arith.cmpi eq, %jit3A_17, %eq3A : i32
    %jit3A_19 = arith.constant 1 : i32
    %select_n3A_20 = arith.select %eq3A_18, %jit3A_19, %jit3A_17 : i32
    %rem3A_21 = arith.remsi %add3A, %select_n3A_20 : i32
    %ne3A_22 = arith.constant 0 : i32
    %ne3A_23 = arith.cmpi ne, %rem3A_21, %ne3A_22 : i32
    %lt3A = arith.constant 0 : i32
    %lt3A_24 = arith.cmpi slt, %rem3A_21, %lt3A : i32
    %lt3A_25 = arith.constant 0 : i32
    %lt3A_26 = arith.cmpi slt, %select_n3A_20, %lt3A_25 : i32
    %ne3A_27 = arith.xori %lt3A_24, %lt3A_26 : i1
    %and3A_28 = arith.andi %ne3A_27, %ne3A_23 : i1
    %add3A_29 = arith.addi %rem3A_21, %select_n3A_20 : i32
    %select_n3A_30 = arith.select %and3A_28, %add3A_29, %rem3A_21 : i32
    %mul3A_31 = arith.constant 3328 : i32
    %mul3A_32 = arith.muli %select_n3A_30, %mul3A_31 : i32
    "tpu.region"() ({
      %run_scoped3A = tpu.sem_alloc : memref<!tpu.dma_semaphore, #tpu.memory_space<semaphore_mem>>
      %dma_start3A = arith.constant 0 : i32
      %dma_start3A_37 = arith.constant 0 : i32
      %dma_start3A_38 = tpu.memref_slice %arg3[%add3A, %dma_start3A, %dma_start3A_37] : memref<32x26x128xi32, #tpu.memory_space<hbm>> -> memref<1x26x128xi32, #tpu.memory_space<hbm>>
      %dma_start3A_39 = tpu.memref_squeeze %dma_start3A_38 : memref<1x26x128xi32, #tpu.memory_space<hbm>> -> memref<26x128xi32, #tpu.memory_space<hbm>>
      %dma_start3A_40 = arith.constant 0 : i32
      %dma_start3A_41 = arith.constant 0 : i32
      %dma_start3A_42 = tpu.memref_slice %arg3[%add3A, %dma_start3A_40, %dma_start3A_41] : memref<32x26x128xi32, #tpu.memory_space<hbm>> -> memref<1x26x128xi32, #tpu.memory_space<hbm>>
      %dma_start3A_43 = tpu.memref_squeeze %dma_start3A_42 : memref<1x26x128xi32, #tpu.memory_space<hbm>> -> memref<26x128xi32, #tpu.memory_space<hbm>>
      tpu.enqueue_dma source(%dma_start3A_43 : memref<26x128xi32, #tpu.memory_space<hbm>>) target(%arg5 : memref<26x128xi32, #tpu.memory_space<vmem>>) target_semaphore(%run_scoped3A : memref<!tpu.dma_semaphore, #tpu.memory_space<semaphore_mem>>)
      %dma_wait3A = arith.constant 0 : i32
      %dma_wait3A_44 = arith.constant 0 : i32
      %dma_wait3A_45 = tpu.memref_slice %arg3[%add3A, %dma_wait3A, %dma_wait3A_44] : memref<32x26x128xi32, #tpu.memory_space<hbm>> -> memref<1x26x128xi32, #tpu.memory_space<hbm>>
      %dma_wait3A_46 = tpu.memref_squeeze %dma_wait3A_45 : memref<1x26x128xi32, #tpu.memory_space<hbm>> -> memref<26x128xi32, #tpu.memory_space<hbm>>
      %dma_wait3A_47 = arith.constant 0 : i32
      %dma_wait3A_48 = arith.constant 0 : i32
      %dma_wait3A_49 = tpu.memref_slice %arg3[%add3A, %dma_wait3A_47, %dma_wait3A_48] : memref<32x26x128xi32, #tpu.memory_space<hbm>> -> memref<1x26x128xi32, #tpu.memory_space<hbm>>
      %dma_wait3A_50 = tpu.memref_squeeze %dma_wait3A_49 : memref<1x26x128xi32, #tpu.memory_space<hbm>> -> memref<26x128xi32, #tpu.memory_space<hbm>>
      tpu.wait_dma2 semaphore(%run_scoped3A : memref<!tpu.dma_semaphore, #tpu.memory_space<semaphore_mem>>) src(%dma_wait3A_50 : memref<26x128xi32, #tpu.memory_space<hbm>>) dst(%arg5 : memref<26x128xi32, #tpu.memory_space<vmem>>)
      tpu.yield
    }) : () -> ()
    %scan3A = arith.constant 0 : i32
    %scan3A_33 = arith.constant 26 : i32
    %scan3A_34 = arith.addi %scan3A, %scan3A_33 : i32
    %scan3A_35 = arith.constant 1 : i32
    scf.for %scan3A_37 = %scan3A to %scan3A_34 step %scan3A_35  : i32 {
      %dma_start3A = arith.constant 0 : i32
      %dma_start3A_38 = tpu.memref_slice %arg5[%scan3A_37, %dma_start3A] : memref<26x128xi32, #tpu.memory_space<vmem>> -> memref<1x128xi32, #tpu.memory_space<vmem>>
      %dma_start3A_39 = tpu.memref_squeeze %dma_start3A_38 : memref<1x128xi32, #tpu.memory_space<vmem>> -> memref<128xi32, #tpu.memory_space<vmem>>
      %dma_start3A_40 = arith.constant 0 : i32
      %dma_start3A_41 = arith.constant 0 : i32
      %dma_start3A_42 = tpu.memref_slice %arg2[%dma_start3A_40, %dma_start3A_41] : memref<1007616x32xf32, #tpu.memory_space<hbm>> -> memref<1007616x32xf32, #tpu.memory_space<hbm>>
      tpu.enqueue_indirect_dma source(%dma_start3A_42 : memref<1007616x32xf32, #tpu.memory_space<hbm>>) target(%arg6 : memref<128x32xf32, #tpu.memory_space<vmem>>) offsets(%dma_start3A_39 : memref<128xi32, #tpu.memory_space<vmem>>) semaphore(%arg7 : memref<!tpu.dma_semaphore, #tpu.memory_space<semaphore_mem>>)
      %dma_wait3A = arith.constant 0 : i32
      %dma_wait3A_43 = tpu.memref_slice %arg5[%scan3A_37, %dma_wait3A] : memref<26x128xi32, #tpu.memory_space<vmem>> -> memref<1x128xi32, #tpu.memory_space<vmem>>
      %dma_wait3A_44 = tpu.memref_squeeze %dma_wait3A_43 : memref<1x128xi32, #tpu.memory_space<vmem>> -> memref<128xi32, #tpu.memory_space<vmem>>
      %dma_wait3A_45 = arith.constant 0 : i32
      %dma_wait3A_46 = arith.constant 0 : i32
      %dma_wait3A_47 = tpu.memref_slice %arg2[%dma_wait3A_45, %dma_wait3A_46] : memref<1007616x32xf32, #tpu.memory_space<hbm>> -> memref<1007616x32xf32, #tpu.memory_space<hbm>>
      tpu.wait_indirect_dma semaphore(%arg7 : memref<!tpu.dma_semaphore, #tpu.memory_space<semaphore_mem>>) src(%dma_wait3A_47 : memref<1007616x32xf32, #tpu.memory_space<hbm>>) dst(%arg6 : memref<128x32xf32, #tpu.memory_space<vmem>>)
      %mul3A_48 = arith.constant 128 : i32
      %mul3A_49 = arith.muli %scan3A_37, %mul3A_48 : i32
      %add3A_50 = arith.addi %mul3A_32, %mul3A_49 : i32
      %mul3A_51 = arith.constant 32 : i32
      %mul3A_52 = arith.muli %select_n3A, %mul3A_51 : i32
      "tpu.region"() ({
        %run_scoped3A = tpu.sem_alloc : memref<!tpu.dma_semaphore, #tpu.memory_space<semaphore_mem>>
        %dma_start3A_53 = tpu.memref_slice %arg4[%add3A_50, %mul3A_52] : memref<26624x128xf32, #tpu.memory_space<hbm>> -> memref<128x32xf32, #tpu.memory_space<hbm>>
        %dma_start3A_54 = tpu.memref_slice %arg4[%add3A_50, %mul3A_52] : memref<26624x128xf32, #tpu.memory_space<hbm>> -> memref<128x32xf32, #tpu.memory_space<hbm>>
        tpu.enqueue_dma source(%arg6 : memref<128x32xf32, #tpu.memory_space<vmem>>) target(%dma_start3A_54 : memref<128x32xf32, #tpu.memory_space<hbm>>) target_semaphore(%run_scoped3A : memref<!tpu.dma_semaphore, #tpu.memory_space<semaphore_mem>>)
        %dma_wait3A_55 = tpu.memref_slice %arg4[%add3A_50, %mul3A_52] : memref<26624x128xf32, #tpu.memory_space<hbm>> -> memref<128x32xf32, #tpu.memory_space<hbm>>
        %dma_wait3A_56 = tpu.memref_slice %arg4[%add3A_50, %mul3A_52] : memref<26624x128xf32, #tpu.memory_space<hbm>> -> memref<128x32xf32, #tpu.memory_space<hbm>>
        tpu.wait_dma2 semaphore(%run_scoped3A : memref<!tpu.dma_semaphore, #tpu.memory_space<semaphore_mem>>) src(%arg6 : memref<128x32xf32, #tpu.memory_space<vmem>>) dst(%dma_wait3A_56 : memref<128x32xf32, #tpu.memory_space<hbm>>)
        tpu.yield
      }) : () -> ()
    }
    %scan3A_36 = arith.constant 26 : i32
    return
  }
}

#map = affine_map<(d0, d1) -> (0, 0)>
#map1 = affine_map<(d0, d1) -> (0, 0, 0)>
module attributes {stable_mosaic.version = 14 : i64} {
  func.func @gather(%arg0: i32, %arg1: i32, %arg2: memref<1007616x32xf32, #tpu.memory_space<hbm>>, %arg3: memref<32x26x128xi32, #tpu.memory_space<hbm>>, %arg4: memref<26624x128xf32, #tpu.memory_space<hbm>>, %arg5: memref<26x128xi32, #tpu.memory_space<vmem>>, %arg6: memref<128x32xf32, #tpu.memory_space<vmem>>, %arg7: memref<!tpu.dma_semaphore, #tpu.memory_space<semaphore_mem>>) attributes {dimension_semantics = [#tpu.dimension_semantics<core_parallel>, #tpu.dimension_semantics<subcore_parallel>], iteration_bounds = array<i64: 2, 16>, scalar_prefetch = 0 : i64, scratch_operands = 3 : i64, tpu.core_type = #tpu.core_type<sc_vector_subcore>, window_params = [{transform_indices = #map}, {transform_indices = #map1}, {transform_indices = #map}]} {
    %mul3A = arith.constant 2 : i32
    %mul3A_0 = arith.muli %arg1, %mul3A : i32
    %add3A = arith.addi %mul3A_0, %arg0 : i32
    %jit3A = arith.constant 8 : i32
    %div3A = arith.divsi %add3A, %jit3A : i32
    %sign3A = arith.constant 0 : i32
    %sign3A_1 = arith.cmpi sgt, %add3A, %sign3A : i32
    %sign3A_2 = arith.extui %sign3A_1 : i1 to i32
    %sign3A_3 = arith.constant 0 : i32
    %sign3A_4 = arith.cmpi slt, %add3A, %sign3A_3 : i32
    %sign3A_5 = arith.extui %sign3A_4 : i1 to i32
    %sign3A_6 = arith.subi %sign3A_2, %sign3A_5 : i32
    %sign3A_7 = arith.constant 0 : i32
    %sign3A_8 = arith.cmpi sgt, %jit3A, %sign3A_7 : i32
    %sign3A_9 = arith.extui %sign3A_8 : i1 to i32
    %sign3A_10 = arith.constant 0 : i32
    %sign3A_11 = arith.cmpi slt, %jit3A, %sign3A_10 : i32
    %sign3A_12 = arith.extui %sign3A_11 : i1 to i32
    %sign3A_13 = arith.subi %sign3A_9, %sign3A_12 : i32
    %ne3A = arith.cmpi ne, %sign3A_6, %sign3A_13 : i32
    %rem3A = arith.remsi %add3A, %jit3A : i32
    %ne3A_14 = arith.constant 0 : i32
    %ne3A_15 = arith.cmpi ne, %rem3A, %ne3A_14 : i32
    %and3A = arith.andi %ne3A, %ne3A_15 : i1
    %sub3A = arith.constant 1 : i32
    %sub3A_16 = arith.subi %div3A, %sub3A : i32
    %select_n3A = arith.select %and3A, %sub3A_16, %div3A : i32
    %jit3A_17 = arith.constant 8 : i32
    %eq3A = arith.constant 0 : i32
    %eq3A_18 = arith.cmpi eq, %jit3A_17, %eq3A : i32
    %jit3A_19 = arith.constant 1 : i32
    %select_n3A_20 = arith.select %eq3A_18, %jit3A_19, %jit3A_17 : i32
    %rem3A_21 = arith.remsi %add3A, %select_n3A_20 : i32
    %ne3A_22 = arith.constant 0 : i32
    %ne3A_23 = arith.cmpi ne, %rem3A_21, %ne3A_22 : i32
    %lt3A = arith.constant 0 : i32
    %lt3A_24 = arith.cmpi slt, %rem3A_21, %lt3A : i32
    %lt3A_25 = arith.constant 0 : i32
    %lt3A_26 = arith.cmpi slt, %select_n3A_20, %lt3A_25 : i32
    %ne3A_27 = arith.xori %lt3A_24, %lt3A_26 : i1
    %and3A_28 = arith.andi %ne3A_27, %ne3A_23 : i1
    %add3A_29 = arith.addi %rem3A_21, %select_n3A_20 : i32
    %select_n3A_30 = arith.select %and3A_28, %add3A_29, %rem3A_21 : i32
    %mul3A_31 = arith.constant 3328 : i32
    %mul3A_32 = arith.muli %select_n3A_30, %mul3A_31 : i32
    "tpu.region"() ({
      %run_scoped3A = tpu.sem_alloc : memref<!tpu.dma_semaphore, #tpu.memory_space<semaphore_mem>>
      %dma_start3A = arith.constant 0 : i32
      %dma_start3A_37 = arith.constant 0 : i32
      %dma_start3A_38 = tpu.memref_slice %arg3[%add3A, %dma_start3A, %dma_start3A_37] : memref<32x26x128xi32, #tpu.memory_space<hbm>> -> memref<1x26x128xi32, #tpu.memory_space<hbm>>
      %dma_start3A_39 = tpu.memref_squeeze %dma_start3A_38 : memref<1x26x128xi32, #tpu.memory_space<hbm>> -> memref<26x128xi32, #tpu.memory_space<hbm>>
      %dma_start3A_40 = arith.constant 0 : i32
      %dma_start3A_41 = arith.constant 0 : i32
      %dma_start3A_42 = tpu.memref_slice %arg3[%add3A, %dma_start3A_40, %dma_start3A_41] : memref<32x26x128xi32, #tpu.memory_space<hbm>> -> memref<1x26x128xi32, #tpu.memory_space<hbm>>
      %dma_start3A_43 = tpu.memref_squeeze %dma_start3A_42 : memref<1x26x128xi32, #tpu.memory_space<hbm>> -> memref<26x128xi32, #tpu.memory_space<hbm>>
      tpu.enqueue_dma source(%dma_start3A_43 : memref<26x128xi32, #tpu.memory_space<hbm>>) target(%arg5 : memref<26x128xi32, #tpu.memory_space<vmem>>) target_semaphore(%run_scoped3A : memref<!tpu.dma_semaphore, #tpu.memory_space<semaphore_mem>>)
      %dma_wait3A = arith.constant 0 : i32
      %dma_wait3A_44 = arith.constant 0 : i32
      %dma_wait3A_45 = tpu.memref_slice %arg3[%add3A, %dma_wait3A, %dma_wait3A_44] : memref<32x26x128xi32, #tpu.memory_space<hbm>> -> memref<1x26x128xi32, #tpu.memory_space<hbm>>
      %dma_wait3A_46 = tpu.memref_squeeze %dma_wait3A_45 : memref<1x26x128xi32, #tpu.memory_space<hbm>> -> memref<26x128xi32, #tpu.memory_space<hbm>>
      %dma_wait3A_47 = arith.constant 0 : i32
      %dma_wait3A_48 = arith.constant 0 : i32
      %dma_wait3A_49 = tpu.memref_slice %arg3[%add3A, %dma_wait3A_47, %dma_wait3A_48] : memref<32x26x128xi32, #tpu.memory_space<hbm>> -> memref<1x26x128xi32, #tpu.memory_space<hbm>>
      %dma_wait3A_50 = tpu.memref_squeeze %dma_wait3A_49 : memref<1x26x128xi32, #tpu.memory_space<hbm>> -> memref<26x128xi32, #tpu.memory_space<hbm>>
      tpu.wait_dma2 semaphore(%run_scoped3A : memref<!tpu.dma_semaphore, #tpu.memory_space<semaphore_mem>>) src(%dma_wait3A_50 : memref<26x128xi32, #tpu.memory_space<hbm>>) dst(%arg5 : memref<26x128xi32, #tpu.memory_space<vmem>>)
      tpu.yield
    }) : () -> ()
    %scan3A = arith.constant 0 : i32
    %scan3A_33 = arith.constant 26 : i32
    %scan3A_34 = arith.addi %scan3A, %scan3A_33 : i32
    %scan3A_35 = arith.constant 1 : i32
    scf.for %scan3A_37 = %scan3A to %scan3A_34 step %scan3A_35  : i32 {
      %dma_start3A = arith.constant 0 : i32
      %dma_start3A_38 = tpu.memref_slice %arg5[%scan3A_37, %dma_start3A] : memref<26x128xi32, #tpu.memory_space<vmem>> -> memref<1x128xi32, #tpu.memory_space<vmem>>
      %dma_start3A_39 = tpu.memref_squeeze %dma_start3A_38 : memref<1x128xi32, #tpu.memory_space<vmem>> -> memref<128xi32, #tpu.memory_space<vmem>>
      %dma_start3A_40 = arith.constant 0 : i32
      %dma_start3A_41 = arith.constant 0 : i32
      %dma_start3A_42 = tpu.memref_slice %arg2[%dma_start3A_40, %dma_start3A_41] : memref<1007616x32xf32, #tpu.memory_space<hbm>> -> memref<1007616x32xf32, #tpu.memory_space<hbm>>
      tpu.enqueue_indirect_dma source(%dma_start3A_42 : memref<1007616x32xf32, #tpu.memory_space<hbm>>) target(%arg6 : memref<128x32xf32, #tpu.memory_space<vmem>>) offsets(%dma_start3A_39 : memref<128xi32, #tpu.memory_space<vmem>>) semaphore(%arg7 : memref<!tpu.dma_semaphore, #tpu.memory_space<semaphore_mem>>)
      %dma_wait3A = arith.constant 0 : i32
      %dma_wait3A_43 = tpu.memref_slice %arg5[%scan3A_37, %dma_wait3A] : memref<26x128xi32, #tpu.memory_space<vmem>> -> memref<1x128xi32, #tpu.memory_space<vmem>>
      %dma_wait3A_44 = tpu.memref_squeeze %dma_wait3A_43 : memref<1x128xi32, #tpu.memory_space<vmem>> -> memref<128xi32, #tpu.memory_space<vmem>>
      %dma_wait3A_45 = arith.constant 0 : i32
      %dma_wait3A_46 = arith.constant 0 : i32
      %dma_wait3A_47 = tpu.memref_slice %arg2[%dma_wait3A_45, %dma_wait3A_46] : memref<1007616x32xf32, #tpu.memory_space<hbm>> -> memref<1007616x32xf32, #tpu.memory_space<hbm>>
      tpu.wait_indirect_dma semaphore(%arg7 : memref<!tpu.dma_semaphore, #tpu.memory_space<semaphore_mem>>) src(%dma_wait3A_47 : memref<1007616x32xf32, #tpu.memory_space<hbm>>) dst(%arg6 : memref<128x32xf32, #tpu.memory_space<vmem>>)
      %mul3A_48 = arith.constant 128 : i32
      %mul3A_49 = arith.muli %scan3A_37, %mul3A_48 : i32
      %add3A_50 = arith.addi %mul3A_32, %mul3A_49 : i32
      %mul3A_51 = arith.constant 32 : i32
      %mul3A_52 = arith.muli %select_n3A, %mul3A_51 : i32
      "tpu.region"() ({
        %run_scoped3A = tpu.sem_alloc : memref<!tpu.dma_semaphore, #tpu.memory_space<semaphore_mem>>
        %dma_start3A_53 = tpu.memref_slice %arg4[%add3A_50, %mul3A_52] : memref<26624x128xf32, #tpu.memory_space<hbm>> -> memref<128x32xf32, #tpu.memory_space<hbm>>
        %dma_start3A_54 = tpu.memref_slice %arg4[%add3A_50, %mul3A_52] : memref<26624x128xf32, #tpu.memory_space<hbm>> -> memref<128x32xf32, #tpu.memory_space<hbm>>
        tpu.enqueue_dma source(%arg6 : memref<128x32xf32, #tpu.memory_space<vmem>>) target(%dma_start3A_54 : memref<128x32xf32, #tpu.memory_space<hbm>>) target_semaphore(%run_scoped3A : memref<!tpu.dma_semaphore, #tpu.memory_space<semaphore_mem>>)
        %dma_wait3A_55 = tpu.memref_slice %arg4[%add3A_50, %mul3A_52] : memref<26624x128xf32, #tpu.memory_space<hbm>> -> memref<128x32xf32, #tpu.memory_space<hbm>>
        %dma_wait3A_56 = tpu.memref_slice %arg4[%add3A_50, %mul3A_52] : memref<26624x128xf32, #tpu.memory_space<hbm>> -> memref<128x32xf32, #tpu.memory_space<hbm>>
        tpu.wait_dma2 semaphore(%run_scoped3A : memref<!tpu.dma_semaphore, #tpu.memory_space<semaphore_mem>>) src(%arg6 : memref<128x32xf32, #tpu.memory_space<vmem>>) dst(%dma_wait3A_56 : memref<128x32xf32, #tpu.memory_space<hbm>>)
        tpu.yield
      }) : () -> ()
    }
    %scan3A_36 = arith.constant 26 : i32
    return
  }
}

#map = affine_map<(d0, d1) -> (0, 0)>
#map1 = affine_map<(d0, d1) -> (0, 0, 0)>
module attributes {stable_mosaic.version = 14 : i64} {
  func.func @gather(%arg0: i32, %arg1: i32, %arg2: memref<1007616x32xf32, #tpu.memory_space<hbm>>, %arg3: memref<32x26x128xi32, #tpu.memory_space<hbm>>, %arg4: memref<26624x128xf32, #tpu.memory_space<hbm>>, %arg5: memref<26x128xi32, #tpu.memory_space<vmem>>, %arg6: memref<128x32xf32, #tpu.memory_space<vmem>>, %arg7: memref<!tpu.dma_semaphore, #tpu.memory_space<semaphore_mem>>) attributes {dimension_semantics = [#tpu.dimension_semantics<core_parallel>, #tpu.dimension_semantics<subcore_parallel>], iteration_bounds = array<i64: 2, 16>, scalar_prefetch = 0 : i64, scratch_operands = 3 : i64, tpu.core_type = #tpu.core_type<sc_vector_subcore>, window_params = [{transform_indices = #map}, {transform_indices = #map1}, {transform_indices = #map}]} {
    %mul3A = arith.constant 2 : i32
    %mul3A_0 = arith.muli %arg1, %mul3A : i32
    %add3A = arith.addi %mul3A_0, %arg0 : i32
    %jit3A = arith.constant 8 : i32
    %div3A = arith.divsi %add3A, %jit3A : i32
    %sign3A = arith.constant 0 : i32
    %sign3A_1 = arith.cmpi sgt, %add3A, %sign3A : i32
    %sign3A_2 = arith.extui %sign3A_1 : i1 to i32
    %sign3A_3 = arith.constant 0 : i32
    %sign3A_4 = arith.cmpi slt, %add3A, %sign3A_3 : i32
    %sign3A_5 = arith.extui %sign3A_4 : i1 to i32
    %sign3A_6 = arith.subi %sign3A_2, %sign3A_5 : i32
    %sign3A_7 = arith.constant 0 : i32
    %sign3A_8 = arith.cmpi sgt, %jit3A, %sign3A_7 : i32
    %sign3A_9 = arith.extui %sign3A_8 : i1 to i32
    %sign3A_10 = arith.constant 0 : i32
    %sign3A_11 = arith.cmpi slt, %jit3A, %sign3A_10 : i32
    %sign3A_12 = arith.extui %sign3A_11 : i1 to i32
    %sign3A_13 = arith.subi %sign3A_9, %sign3A_12 : i32
    %ne3A = arith.cmpi ne, %sign3A_6, %sign3A_13 : i32
    %rem3A = arith.remsi %add3A, %jit3A : i32
    %ne3A_14 = arith.constant 0 : i32
    %ne3A_15 = arith.cmpi ne, %rem3A, %ne3A_14 : i32
    %and3A = arith.andi %ne3A, %ne3A_15 : i1
    %sub3A = arith.constant 1 : i32
    %sub3A_16 = arith.subi %div3A, %sub3A : i32
    %select_n3A = arith.select %and3A, %sub3A_16, %div3A : i32
    %jit3A_17 = arith.constant 8 : i32
    %eq3A = arith.constant 0 : i32
    %eq3A_18 = arith.cmpi eq, %jit3A_17, %eq3A : i32
    %jit3A_19 = arith.constant 1 : i32
    %select_n3A_20 = arith.select %eq3A_18, %jit3A_19, %jit3A_17 : i32
    %rem3A_21 = arith.remsi %add3A, %select_n3A_20 : i32
    %ne3A_22 = arith.constant 0 : i32
    %ne3A_23 = arith.cmpi ne, %rem3A_21, %ne3A_22 : i32
    %lt3A = arith.constant 0 : i32
    %lt3A_24 = arith.cmpi slt, %rem3A_21, %lt3A : i32
    %lt3A_25 = arith.constant 0 : i32
    %lt3A_26 = arith.cmpi slt, %select_n3A_20, %lt3A_25 : i32
    %ne3A_27 = arith.xori %lt3A_24, %lt3A_26 : i1
    %and3A_28 = arith.andi %ne3A_27, %ne3A_23 : i1
    %add3A_29 = arith.addi %rem3A_21, %select_n3A_20 : i32
    %select_n3A_30 = arith.select %and3A_28, %add3A_29, %rem3A_21 : i32
    %mul3A_31 = arith.constant 3328 : i32
    %mul3A_32 = arith.muli %select_n3A_30, %mul3A_31 : i32
    "tpu.region"() ({
      %run_scoped3A = tpu.sem_alloc : memref<!tpu.dma_semaphore, #tpu.memory_space<semaphore_mem>>
      %dma_start3A = arith.constant 0 : i32
      %dma_start3A_37 = arith.constant 0 : i32
      %dma_start3A_38 = tpu.memref_slice %arg3[%add3A, %dma_start3A, %dma_start3A_37] : memref<32x26x128xi32, #tpu.memory_space<hbm>> -> memref<1x26x128xi32, #tpu.memory_space<hbm>>
      %dma_start3A_39 = tpu.memref_squeeze %dma_start3A_38 : memref<1x26x128xi32, #tpu.memory_space<hbm>> -> memref<26x128xi32, #tpu.memory_space<hbm>>
      %dma_start3A_40 = arith.constant 0 : i32
      %dma_start3A_41 = arith.constant 0 : i32
      %dma_start3A_42 = tpu.memref_slice %arg3[%add3A, %dma_start3A_40, %dma_start3A_41] : memref<32x26x128xi32, #tpu.memory_space<hbm>> -> memref<1x26x128xi32, #tpu.memory_space<hbm>>
      %dma_start3A_43 = tpu.memref_squeeze %dma_start3A_42 : memref<1x26x128xi32, #tpu.memory_space<hbm>> -> memref<26x128xi32, #tpu.memory_space<hbm>>
      tpu.enqueue_dma source(%dma_start3A_43 : memref<26x128xi32, #tpu.memory_space<hbm>>) target(%arg5 : memref<26x128xi32, #tpu.memory_space<vmem>>) target_semaphore(%run_scoped3A : memref<!tpu.dma_semaphore, #tpu.memory_space<semaphore_mem>>)
      %dma_wait3A = arith.constant 0 : i32
      %dma_wait3A_44 = arith.constant 0 : i32
      %dma_wait3A_45 = tpu.memref_slice %arg3[%add3A, %dma_wait3A, %dma_wait3A_44] : memref<32x26x128xi32, #tpu.memory_space<hbm>> -> memref<1x26x128xi32, #tpu.memory_space<hbm>>
      %dma_wait3A_46 = tpu.memref_squeeze %dma_wait3A_45 : memref<1x26x128xi32, #tpu.memory_space<hbm>> -> memref<26x128xi32, #tpu.memory_space<hbm>>
      %dma_wait3A_47 = arith.constant 0 : i32
      %dma_wait3A_48 = arith.constant 0 : i32
      %dma_wait3A_49 = tpu.memref_slice %arg3[%add3A, %dma_wait3A_47, %dma_wait3A_48] : memref<32x26x128xi32, #tpu.memory_space<hbm>> -> memref<1x26x128xi32, #tpu.memory_space<hbm>>
      %dma_wait3A_50 = tpu.memref_squeeze %dma_wait3A_49 : memref<1x26x128xi32, #tpu.memory_space<hbm>> -> memref<26x128xi32, #tpu.memory_space<hbm>>
      tpu.wait_dma2 semaphore(%run_scoped3A : memref<!tpu.dma_semaphore, #tpu.memory_space<semaphore_mem>>) src(%dma_wait3A_50 : memref<26x128xi32, #tpu.memory_space<hbm>>) dst(%arg5 : memref<26x128xi32, #tpu.memory_space<vmem>>)
      tpu.yield
    }) : () -> ()
    %scan3A = arith.constant 0 : i32
    %scan3A_33 = arith.constant 26 : i32
    %scan3A_34 = arith.addi %scan3A, %scan3A_33 : i32
    %scan3A_35 = arith.constant 1 : i32
    scf.for %scan3A_37 = %scan3A to %scan3A_34 step %scan3A_35  : i32 {
      %dma_start3A = arith.constant 0 : i32
      %dma_start3A_38 = tpu.memref_slice %arg5[%scan3A_37, %dma_start3A] : memref<26x128xi32, #tpu.memory_space<vmem>> -> memref<1x128xi32, #tpu.memory_space<vmem>>
      %dma_start3A_39 = tpu.memref_squeeze %dma_start3A_38 : memref<1x128xi32, #tpu.memory_space<vmem>> -> memref<128xi32, #tpu.memory_space<vmem>>
      %dma_start3A_40 = arith.constant 0 : i32
      %dma_start3A_41 = arith.constant 0 : i32
      %dma_start3A_42 = tpu.memref_slice %arg2[%dma_start3A_40, %dma_start3A_41] : memref<1007616x32xf32, #tpu.memory_space<hbm>> -> memref<1007616x32xf32, #tpu.memory_space<hbm>>
      tpu.enqueue_indirect_dma source(%dma_start3A_42 : memref<1007616x32xf32, #tpu.memory_space<hbm>>) target(%arg6 : memref<128x32xf32, #tpu.memory_space<vmem>>) offsets(%dma_start3A_39 : memref<128xi32, #tpu.memory_space<vmem>>) semaphore(%arg7 : memref<!tpu.dma_semaphore, #tpu.memory_space<semaphore_mem>>)
      %dma_wait3A = arith.constant 0 : i32
      %dma_wait3A_43 = tpu.memref_slice %arg5[%scan3A_37, %dma_wait3A] : memref<26x128xi32, #tpu.memory_space<vmem>> -> memref<1x128xi32, #tpu.memory_space<vmem>>
      %dma_wait3A_44 = tpu.memref_squeeze %dma_wait3A_43 : memref<1x128xi32, #tpu.memory_space<vmem>> -> memref<128xi32, #tpu.memory_space<vmem>>
      %dma_wait3A_45 = arith.constant 0 : i32
      %dma_wait3A_46 = arith.constant 0 : i32
      %dma_wait3A_47 = tpu.memref_slice %arg2[%dma_wait3A_45, %dma_wait3A_46] : memref<1007616x32xf32, #tpu.memory_space<hbm>> -> memref<1007616x32xf32, #tpu.memory_space<hbm>>
      tpu.wait_indirect_dma semaphore(%arg7 : memref<!tpu.dma_semaphore, #tpu.memory_space<semaphore_mem>>) src(%dma_wait3A_47 : memref<1007616x32xf32, #tpu.memory_space<hbm>>) dst(%arg6 : memref<128x32xf32, #tpu.memory_space<vmem>>)
      %mul3A_48 = arith.constant 128 : i32
      %mul3A_49 = arith.muli %scan3A_37, %mul3A_48 : i32
      %add3A_50 = arith.addi %mul3A_32, %mul3A_49 : i32
      %mul3A_51 = arith.constant 32 : i32
      %mul3A_52 = arith.muli %select_n3A, %mul3A_51 : i32
      "tpu.region"() ({
        %run_scoped3A = tpu.sem_alloc : memref<!tpu.dma_semaphore, #tpu.memory_space<semaphore_mem>>
        %dma_start3A_53 = tpu.memref_slice %arg4[%add3A_50, %mul3A_52] : memref<26624x128xf32, #tpu.memory_space<hbm>> -> memref<128x32xf32, #tpu.memory_space<hbm>>
        %dma_start3A_54 = tpu.memref_slice %arg4[%add3A_50, %mul3A_52] : memref<26624x128xf32, #tpu.memory_space<hbm>> -> memref<128x32xf32, #tpu.memory_space<hbm>>
        tpu.enqueue_dma source(%arg6 : memref<128x32xf32, #tpu.memory_space<vmem>>) target(%dma_start3A_54 : memref<128x32xf32, #tpu.memory_space<hbm>>) target_semaphore(%run_scoped3A : memref<!tpu.dma_semaphore, #tpu.memory_space<semaphore_mem>>)
        %dma_wait3A_55 = tpu.memref_slice %arg4[%add3A_50, %mul3A_52] : memref<26624x128xf32, #tpu.memory_space<hbm>> -> memref<128x32xf32, #tpu.memory_space<hbm>>
        %dma_wait3A_56 = tpu.memref_slice %arg4[%add3A_50, %mul3A_52] : memref<26624x128xf32, #tpu.memory_space<hbm>> -> memref<128x32xf32, #tpu.memory_space<hbm>>
        tpu.wait_dma2 semaphore(%run_scoped3A : memref<!tpu.dma_semaphore, #tpu.memory_space<semaphore_mem>>) src(%arg6 : memref<128x32xf32, #tpu.memory_space<vmem>>) dst(%dma_wait3A_56 : memref<128x32xf32, #tpu.memory_space<hbm>>)
        tpu.yield
      }) : () -> ()
    }
    %scan3A_36 = arith.constant 26 : i32
    return
  }
}

#map = affine_map<(d0, d1) -> (0, 0)>
#map1 = affine_map<(d0, d1) -> (0, 0, 0)>
module attributes {stable_mosaic.version = 14 : i64} {
  func.func @gather(%arg0: i32, %arg1: i32, %arg2: memref<1007616x32xf32, #tpu.memory_space<hbm>>, %arg3: memref<32x26x128xi32, #tpu.memory_space<hbm>>, %arg4: memref<26624x128xf32, #tpu.memory_space<hbm>>, %arg5: memref<26x128xi32, #tpu.memory_space<vmem>>, %arg6: memref<128x32xf32, #tpu.memory_space<vmem>>, %arg7: memref<!tpu.dma_semaphore, #tpu.memory_space<semaphore_mem>>) attributes {dimension_semantics = [#tpu.dimension_semantics<core_parallel>, #tpu.dimension_semantics<subcore_parallel>], iteration_bounds = array<i64: 2, 16>, scalar_prefetch = 0 : i64, scratch_operands = 3 : i64, tpu.core_type = #tpu.core_type<sc_vector_subcore>, window_params = [{transform_indices = #map}, {transform_indices = #map1}, {transform_indices = #map}]} {
    %mul3A = arith.constant 2 : i32
    %mul3A_0 = arith.muli %arg1, %mul3A : i32
    %add3A = arith.addi %mul3A_0, %arg0 : i32
    %jit3A = arith.constant 8 : i32
    %div3A = arith.divsi %add3A, %jit3A : i32
    %sign3A = arith.constant 0 : i32
    %sign3A_1 = arith.cmpi sgt, %add3A, %sign3A : i32
    %sign3A_2 = arith.extui %sign3A_1 : i1 to i32
    %sign3A_3 = arith.constant 0 : i32
    %sign3A_4 = arith.cmpi slt, %add3A, %sign3A_3 : i32
    %sign3A_5 = arith.extui %sign3A_4 : i1 to i32
    %sign3A_6 = arith.subi %sign3A_2, %sign3A_5 : i32
    %sign3A_7 = arith.constant 0 : i32
    %sign3A_8 = arith.cmpi sgt, %jit3A, %sign3A_7 : i32
    %sign3A_9 = arith.extui %sign3A_8 : i1 to i32
    %sign3A_10 = arith.constant 0 : i32
    %sign3A_11 = arith.cmpi slt, %jit3A, %sign3A_10 : i32
    %sign3A_12 = arith.extui %sign3A_11 : i1 to i32
    %sign3A_13 = arith.subi %sign3A_9, %sign3A_12 : i32
    %ne3A = arith.cmpi ne, %sign3A_6, %sign3A_13 : i32
    %rem3A = arith.remsi %add3A, %jit3A : i32
    %ne3A_14 = arith.constant 0 : i32
    %ne3A_15 = arith.cmpi ne, %rem3A, %ne3A_14 : i32
    %and3A = arith.andi %ne3A, %ne3A_15 : i1
    %sub3A = arith.constant 1 : i32
    %sub3A_16 = arith.subi %div3A, %sub3A : i32
    %select_n3A = arith.select %and3A, %sub3A_16, %div3A : i32
    %jit3A_17 = arith.constant 8 : i32
    %eq3A = arith.constant 0 : i32
    %eq3A_18 = arith.cmpi eq, %jit3A_17, %eq3A : i32
    %jit3A_19 = arith.constant 1 : i32
    %select_n3A_20 = arith.select %eq3A_18, %jit3A_19, %jit3A_17 : i32
    %rem3A_21 = arith.remsi %add3A, %select_n3A_20 : i32
    %ne3A_22 = arith.constant 0 : i32
    %ne3A_23 = arith.cmpi ne, %rem3A_21, %ne3A_22 : i32
    %lt3A = arith.constant 0 : i32
    %lt3A_24 = arith.cmpi slt, %rem3A_21, %lt3A : i32
    %lt3A_25 = arith.constant 0 : i32
    %lt3A_26 = arith.cmpi slt, %select_n3A_20, %lt3A_25 : i32
    %ne3A_27 = arith.xori %lt3A_24, %lt3A_26 : i1
    %and3A_28 = arith.andi %ne3A_27, %ne3A_23 : i1
    %add3A_29 = arith.addi %rem3A_21, %select_n3A_20 : i32
    %select_n3A_30 = arith.select %and3A_28, %add3A_29, %rem3A_21 : i32
    %mul3A_31 = arith.constant 3328 : i32
    %mul3A_32 = arith.muli %select_n3A_30, %mul3A_31 : i32
    "tpu.region"() ({
      %run_scoped3A = tpu.sem_alloc : memref<!tpu.dma_semaphore, #tpu.memory_space<semaphore_mem>>
      %dma_start3A = arith.constant 0 : i32
      %dma_start3A_37 = arith.constant 0 : i32
      %dma_start3A_38 = tpu.memref_slice %arg3[%add3A, %dma_start3A, %dma_start3A_37] : memref<32x26x128xi32, #tpu.memory_space<hbm>> -> memref<1x26x128xi32, #tpu.memory_space<hbm>>
      %dma_start3A_39 = tpu.memref_squeeze %dma_start3A_38 : memref<1x26x128xi32, #tpu.memory_space<hbm>> -> memref<26x128xi32, #tpu.memory_space<hbm>>
      %dma_start3A_40 = arith.constant 0 : i32
      %dma_start3A_41 = arith.constant 0 : i32
      %dma_start3A_42 = tpu.memref_slice %arg3[%add3A, %dma_start3A_40, %dma_start3A_41] : memref<32x26x128xi32, #tpu.memory_space<hbm>> -> memref<1x26x128xi32, #tpu.memory_space<hbm>>
      %dma_start3A_43 = tpu.memref_squeeze %dma_start3A_42 : memref<1x26x128xi32, #tpu.memory_space<hbm>> -> memref<26x128xi32, #tpu.memory_space<hbm>>
      tpu.enqueue_dma source(%dma_start3A_43 : memref<26x128xi32, #tpu.memory_space<hbm>>) target(%arg5 : memref<26x128xi32, #tpu.memory_space<vmem>>) target_semaphore(%run_scoped3A : memref<!tpu.dma_semaphore, #tpu.memory_space<semaphore_mem>>)
      %dma_wait3A = arith.constant 0 : i32
      %dma_wait3A_44 = arith.constant 0 : i32
      %dma_wait3A_45 = tpu.memref_slice %arg3[%add3A, %dma_wait3A, %dma_wait3A_44] : memref<32x26x128xi32, #tpu.memory_space<hbm>> -> memref<1x26x128xi32, #tpu.memory_space<hbm>>
      %dma_wait3A_46 = tpu.memref_squeeze %dma_wait3A_45 : memref<1x26x128xi32, #tpu.memory_space<hbm>> -> memref<26x128xi32, #tpu.memory_space<hbm>>
      %dma_wait3A_47 = arith.constant 0 : i32
      %dma_wait3A_48 = arith.constant 0 : i32
      %dma_wait3A_49 = tpu.memref_slice %arg3[%add3A, %dma_wait3A_47, %dma_wait3A_48] : memref<32x26x128xi32, #tpu.memory_space<hbm>> -> memref<1x26x128xi32, #tpu.memory_space<hbm>>
      %dma_wait3A_50 = tpu.memref_squeeze %dma_wait3A_49 : memref<1x26x128xi32, #tpu.memory_space<hbm>> -> memref<26x128xi32, #tpu.memory_space<hbm>>
      tpu.wait_dma2 semaphore(%run_scoped3A : memref<!tpu.dma_semaphore, #tpu.memory_space<semaphore_mem>>) src(%dma_wait3A_50 : memref<26x128xi32, #tpu.memory_space<hbm>>) dst(%arg5 : memref<26x128xi32, #tpu.memory_space<vmem>>)
      tpu.yield
    }) : () -> ()
    %scan3A = arith.constant 0 : i32
    %scan3A_33 = arith.constant 26 : i32
    %scan3A_34 = arith.addi %scan3A, %scan3A_33 : i32
    %scan3A_35 = arith.constant 1 : i32
    scf.for %scan3A_37 = %scan3A to %scan3A_34 step %scan3A_35  : i32 {
      %dma_start3A = arith.constant 0 : i32
      %dma_start3A_38 = tpu.memref_slice %arg5[%scan3A_37, %dma_start3A] : memref<26x128xi32, #tpu.memory_space<vmem>> -> memref<1x128xi32, #tpu.memory_space<vmem>>
      %dma_start3A_39 = tpu.memref_squeeze %dma_start3A_38 : memref<1x128xi32, #tpu.memory_space<vmem>> -> memref<128xi32, #tpu.memory_space<vmem>>
      %dma_start3A_40 = arith.constant 0 : i32
      %dma_start3A_41 = arith.constant 0 : i32
      %dma_start3A_42 = tpu.memref_slice %arg2[%dma_start3A_40, %dma_start3A_41] : memref<1007616x32xf32, #tpu.memory_space<hbm>> -> memref<1007616x32xf32, #tpu.memory_space<hbm>>
      tpu.enqueue_indirect_dma source(%dma_start3A_42 : memref<1007616x32xf32, #tpu.memory_space<hbm>>) target(%arg6 : memref<128x32xf32, #tpu.memory_space<vmem>>) offsets(%dma_start3A_39 : memref<128xi32, #tpu.memory_space<vmem>>) semaphore(%arg7 : memref<!tpu.dma_semaphore, #tpu.memory_space<semaphore_mem>>)
      %dma_wait3A = arith.constant 0 : i32
      %dma_wait3A_43 = tpu.memref_slice %arg5[%scan3A_37, %dma_wait3A] : memref<26x128xi32, #tpu.memory_space<vmem>> -> memref<1x128xi32, #tpu.memory_space<vmem>>
      %dma_wait3A_44 = tpu.memref_squeeze %dma_wait3A_43 : memref<1x128xi32, #tpu.memory_space<vmem>> -> memref<128xi32, #tpu.memory_space<vmem>>
      %dma_wait3A_45 = arith.constant 0 : i32
      %dma_wait3A_46 = arith.constant 0 : i32
      %dma_wait3A_47 = tpu.memref_slice %arg2[%dma_wait3A_45, %dma_wait3A_46] : memref<1007616x32xf32, #tpu.memory_space<hbm>> -> memref<1007616x32xf32, #tpu.memory_space<hbm>>
      tpu.wait_indirect_dma semaphore(%arg7 : memref<!tpu.dma_semaphore, #tpu.memory_space<semaphore_mem>>) src(%dma_wait3A_47 : memref<1007616x32xf32, #tpu.memory_space<hbm>>) dst(%arg6 : memref<128x32xf32, #tpu.memory_space<vmem>>)
      %mul3A_48 = arith.constant 128 : i32
      %mul3A_49 = arith.muli %scan3A_37, %mul3A_48 : i32
      %add3A_50 = arith.addi %mul3A_32, %mul3A_49 : i32
      %mul3A_51 = arith.constant 32 : i32
      %mul3A_52 = arith.muli %select_n3A, %mul3A_51 : i32
      "tpu.region"() ({
        %run_scoped3A = tpu.sem_alloc : memref<!tpu.dma_semaphore, #tpu.memory_space<semaphore_mem>>
        %dma_start3A_53 = tpu.memref_slice %arg4[%add3A_50, %mul3A_52] : memref<26624x128xf32, #tpu.memory_space<hbm>> -> memref<128x32xf32, #tpu.memory_space<hbm>>
        %dma_start3A_54 = tpu.memref_slice %arg4[%add3A_50, %mul3A_52] : memref<26624x128xf32, #tpu.memory_space<hbm>> -> memref<128x32xf32, #tpu.memory_space<hbm>>
        tpu.enqueue_dma source(%arg6 : memref<128x32xf32, #tpu.memory_space<vmem>>) target(%dma_start3A_54 : memref<128x32xf32, #tpu.memory_space<hbm>>) target_semaphore(%run_scoped3A : memref<!tpu.dma_semaphore, #tpu.memory_space<semaphore_mem>>)
        %dma_wait3A_55 = tpu.memref_slice %arg4[%add3A_50, %mul3A_52] : memref<26624x128xf32, #tpu.memory_space<hbm>> -> memref<128x32xf32, #tpu.memory_space<hbm>>
        %dma_wait3A_56 = tpu.memref_slice %arg4[%add3A_50, %mul3A_52] : memref<26624x128xf32, #tpu.memory_space<hbm>> -> memref<128x32xf32, #tpu.memory_space<hbm>>
        tpu.wait_dma2 semaphore(%run_scoped3A : memref<!tpu.dma_semaphore, #tpu.memory_space<semaphore_mem>>) src(%arg6 : memref<128x32xf32, #tpu.memory_space<vmem>>) dst(%dma_wait3A_56 : memref<128x32xf32, #tpu.memory_space<hbm>>)
        tpu.yield
      }) : () -> ()
    }
    %scan3A_36 = arith.constant 26 : i32
    return
  }
}

module attributes {stable_mosaic.version = 14 : i64} {
  func.func @body(%arg0: i32, %arg1: memref<32x8192xf32, #tpu.memory_space<vmem>>, %arg2: memref<2048x128xf32, #tpu.memory_space<vmem>>) attributes {dimension_semantics = [#tpu.dimension_semantics<arbitrary>], iteration_bounds = array<i64: 123>, scalar_prefetch = 0 : i64, scratch_operands = 0 : i64, tpu.core_type = #tpu.core_type<tc>, window_params = [{transform_indices = @transform_0, window_bounds = array<i64: 32, 8192>}, {transform_indices = @transform_1, window_bounds = array<i64: 2048, 128>}]} {
    %get3A = arith.constant 0 : index
    %get3A_0 = arith.constant 0 : index
    %get3A_1 = vector.load %arg1[%get3A, %get3A_0] : memref<32x8192xf32, #tpu.memory_space<vmem>>, vector<32x8192xf32>
    %transpose3A = tpu.transpose %get3A_1, [1, 0] : vector<32x8192xf32> -> vector<8192x32xf32>
    %slice3A = vector.extract_strided_slice %transpose3A {offsets = [0, 0], sizes = [2048, 32], strides = [1, 1]} : vector<8192x32xf32> to vector<2048x32xf32>
    %swap3A = arith.constant 0 : index
    %swap3A_2 = arith.constant 0 : index
    %swap3A_3 = vector.load %arg2[%swap3A, %swap3A_2] : memref<2048x128xf32, #tpu.memory_space<vmem>>, vector<2048x32xf32>
    tpu.vector_store %arg2[%swap3A, %swap3A_2], %slice3A {strides = array<i32>} : memref<2048x128xf32, #tpu.memory_space<vmem>>, vector<2048x32xf32>,
    %slice3A_4 = vector.extract_strided_slice %transpose3A {offsets = [2048, 0], sizes = [2048, 32], strides = [1, 1]} : vector<8192x32xf32> to vector<2048x32xf32>
    %swap3A_5 = arith.constant 0 : index
    %swap3A_6 = arith.constant 32 : index
    %swap3A_7 = vector.load %arg2[%swap3A_5, %swap3A_6] : memref<2048x128xf32, #tpu.memory_space<vmem>>, vector<2048x32xf32>
    tpu.vector_store %arg2[%swap3A_5, %swap3A_6], %slice3A_4 {strides = array<i32>} : memref<2048x128xf32, #tpu.memory_space<vmem>>, vector<2048x32xf32>,
    %slice3A_8 = vector.extract_strided_slice %transpose3A {offsets = [4096, 0], sizes = [2048, 32], strides = [1, 1]} : vector<8192x32xf32> to vector<2048x32xf32>
    %swap3A_9 = arith.constant 0 : index
    %swap3A_10 = arith.constant 64 : index
    %swap3A_11 = vector.load %arg2[%swap3A_9, %swap3A_10] : memref<2048x128xf32, #tpu.memory_space<vmem>>, vector<2048x32xf32>
    tpu.vector_store %arg2[%swap3A_9, %swap3A_10], %slice3A_8 {strides = array<i32>} : memref<2048x128xf32, #tpu.memory_space<vmem>>, vector<2048x32xf32>,
    %slice3A_12 = vector.extract_strided_slice %transpose3A {offsets = [6144, 0], sizes = [2048, 32], strides = [1, 1]} : vector<8192x32xf32> to vector<2048x32xf32>
    %swap3A_13 = arith.constant 0 : index
    %swap3A_14 = arith.constant 96 : index
    %swap3A_15 = vector.load %arg2[%swap3A_13, %swap3A_14] : memref<2048x128xf32, #tpu.memory_space<vmem>>, vector<2048x32xf32>
    tpu.vector_store %arg2[%swap3A_13, %swap3A_14], %slice3A_12 {strides = array<i32>} : memref<2048x128xf32, #tpu.memory_space<vmem>>, vector<2048x32xf32>,
    return
  }
  func.func @transform_0(%arg0: i32) -> (i32, i32) {
    %c0_i32 = arith.constant 0 : i32
    %c0_i32_0 = arith.constant 0 : i32
    return %c0_i32, %arg0 : i32, i32
  }
  func.func @transform_1(%arg0: i32) -> (i32, i32) {
    %c0_i32 = arith.constant 0 : i32
    %c0_i32_0 = arith.constant 0 : i32
    return %arg0, %c0_i32 : i32, i32
  }
}

module attributes {stable_mosaic.version = 14 : i64} {
  func.func @body(%arg0: i32, %arg1: memref<2048x128xf32, #tpu.memory_space<vmem>>, %arg2: memref<32x128xf32, #tpu.memory_space<vmem>>, %arg3: memref<1x4x2048x128xf32, #tpu.memory_space<vmem>>) attributes {dimension_semantics = [#tpu.dimension_semantics<arbitrary>], iteration_bounds = array<i64: 13>, scalar_prefetch = 0 : i64, scratch_operands = 0 : i64, tpu.core_type = #tpu.core_type<tc>, window_params = [{transform_indices = @transform_0, window_bounds = array<i64: 2048, 128>}, {pipeline_mode = #tpu.pipeline_mode<synchronous>, transform_indices = @transform_1, window_bounds = array<i64: 32, 128>}, {transform_indices = @transform_2, window_bounds = array<i64: 1, 4, 2048, 128>}]} {
    %get3A = arith.constant 0 : index
    %get3A_0 = arith.constant 0 : index
    %get3A_1 = vector.load %arg1[%get3A, %get3A_0] : memref<2048x128xf32, #tpu.memory_space<vmem>>, vector<2048x32xf32>
    %get3A_2 = arith.constant 0 : index
    %get3A_3 = arith.constant 0 : index
    %get3A_4 = vector.load %arg2[%get3A_2, %get3A_3] : memref<32x128xf32, #tpu.memory_space<vmem>>, vector<32x128xf32>
    %dot_general3A = arith.constant dense<0.000000e+00> : vector<2048x128xf32>
    %dot_general3A_5 = tpu.matmul %get3A_1, %get3A_4, %dot_general3A {dimension_numbers = #tpu.dot_dimension_numbers<[1], [0], [0], [1], [0, 0, 1, 1], [], []>, transpose_lhs_hint = false} : vector<2048x32xf32>, vector<32x128xf32>, vector<2048x128xf32> -> vector<2048x128xf32>
    %swap3A = arith.constant 0 : index
    %swap3A_6 = arith.constant 0 : index
    %swap3A_7 = arith.constant 0 : index
    %swap3A_8 = arith.constant 0 : index
    %swap3A_9 = vector.load %arg3[%swap3A, %swap3A_6, %swap3A_7, %swap3A_8] : memref<1x4x2048x128xf32, #tpu.memory_space<vmem>>, vector<1x1x2048x128xf32>
    %swap3A_10 = vector.shape_cast %swap3A_9 : vector<1x1x2048x128xf32> to vector<2048x128xf32>
    %swap3A_11 = vector.shape_cast %dot_general3A_5 : vector<2048x128xf32> to vector<1x1x2048x128xf32>
    tpu.vector_store %arg3[%swap3A, %swap3A_6, %swap3A_7, %swap3A_8], %swap3A_11 {strides = array<i32>} : memref<1x4x2048x128xf32, #tpu.memory_space<vmem>>, vector<1x1x2048x128xf32>,
    %get3A_12 = arith.constant 0 : index
    %get3A_13 = arith.constant 32 : index
    %get3A_14 = vector.load %arg1[%get3A_12, %get3A_13] : memref<2048x128xf32, #tpu.memory_space<vmem>>, vector<2048x32xf32>
    %get3A_15 = arith.constant 0 : index
    %get3A_16 = arith.constant 0 : index
    %get3A_17 = vector.load %arg2[%get3A_15, %get3A_16] : memref<32x128xf32, #tpu.memory_space<vmem>>, vector<32x128xf32>
    %dot_general3A_18 = arith.constant dense<0.000000e+00> : vector<2048x128xf32>
    %dot_general3A_19 = tpu.matmul %get3A_14, %get3A_17, %dot_general3A_18 {dimension_numbers = #tpu.dot_dimension_numbers<[1], [0], [0], [1], [0, 0, 1, 1], [], []>, transpose_lhs_hint = false} : vector<2048x32xf32>, vector<32x128xf32>, vector<2048x128xf32> -> vector<2048x128xf32>
    %swap3A_20 = arith.constant 0 : index
    %swap3A_21 = arith.constant 1 : index
    %swap3A_22 = arith.constant 0 : index
    %swap3A_23 = arith.constant 0 : index
    %swap3A_24 = vector.load %arg3[%swap3A_20, %swap3A_21, %swap3A_22, %swap3A_23] : memref<1x4x2048x128xf32, #tpu.memory_space<vmem>>, vector<1x1x2048x128xf32>
    %swap3A_25 = vector.shape_cast %swap3A_24 : vector<1x1x2048x128xf32> to vector<2048x128xf32>
    %swap3A_26 = vector.shape_cast %dot_general3A_19 : vector<2048x128xf32> to vector<1x1x2048x128xf32>
    tpu.vector_store %arg3[%swap3A_20, %swap3A_21, %swap3A_22, %swap3A_23], %swap3A_26 {strides = array<i32>} : memref<1x4x2048x128xf32, #tpu.memory_space<vmem>>, vector<1x1x2048x128xf32>,
    %get3A_27 = arith.constant 0 : index
    %get3A_28 = arith.constant 64 : index
    %get3A_29 = vector.load %arg1[%get3A_27, %get3A_28] : memref<2048x128xf32, #tpu.memory_space<vmem>>, vector<2048x32xf32>
    %get3A_30 = arith.constant 0 : index
    %get3A_31 = arith.constant 0 : index
    %get3A_32 = vector.load %arg2[%get3A_30, %get3A_31] : memref<32x128xf32, #tpu.memory_space<vmem>>, vector<32x128xf32>
    %dot_general3A_33 = arith.constant dense<0.000000e+00> : vector<2048x128xf32>
    %dot_general3A_34 = tpu.matmul %get3A_29, %get3A_32, %dot_general3A_33 {dimension_numbers = #tpu.dot_dimension_numbers<[1], [0], [0], [1], [0, 0, 1, 1], [], []>, transpose_lhs_hint = false} : vector<2048x32xf32>, vector<32x128xf32>, vector<2048x128xf32> -> vector<2048x128xf32>
    %swap3A_35 = arith.constant 0 : index
    %swap3A_36 = arith.constant 2 : index
    %swap3A_37 = arith.constant 0 : index
    %swap3A_38 = arith.constant 0 : index
    %swap3A_39 = vector.load %arg3[%swap3A_35, %swap3A_36, %swap3A_37, %swap3A_38] : memref<1x4x2048x128xf32, #tpu.memory_space<vmem>>, vector<1x1x2048x128xf32>
    %swap3A_40 = vector.shape_cast %swap3A_39 : vector<1x1x2048x128xf32> to vector<2048x128xf32>
    %swap3A_41 = vector.shape_cast %dot_general3A_34 : vector<2048x128xf32> to vector<1x1x2048x128xf32>
    tpu.vector_store %arg3[%swap3A_35, %swap3A_36, %swap3A_37, %swap3A_38], %swap3A_41 {strides = array<i32>} : memref<1x4x2048x128xf32, #tpu.memory_space<vmem>>, vector<1x1x2048x128xf32>,
    %get3A_42 = arith.constant 0 : index
    %get3A_43 = arith.constant 96 : index
    %get3A_44 = vector.load %arg1[%get3A_42, %get3A_43] : memref<2048x128xf32, #tpu.memory_space<vmem>>, vector<2048x32xf32>
    %get3A_45 = arith.constant 0 : index
    %get3A_46 = arith.constant 0 : index
    %get3A_47 = vector.load %arg2[%get3A_45, %get3A_46] : memref<32x128xf32, #tpu.memory_space<vmem>>, vector<32x128xf32>
    %dot_general3A_48 = arith.constant dense<0.000000e+00> : vector<2048x128xf32>
    %dot_general3A_49 = tpu.matmul %get3A_44, %get3A_47, %dot_general3A_48 {dimension_numbers = #tpu.dot_dimension_numbers<[1], [0], [0], [1], [0, 0, 1, 1], [], []>, transpose_lhs_hint = false} : vector<2048x32xf32>, vector<32x128xf32>, vector<2048x128xf32> -> vector<2048x128xf32>
    %swap3A_50 = arith.constant 0 : index
    %swap3A_51 = arith.constant 3 : index
    %swap3A_52 = arith.constant 0 : index
    %swap3A_53 = arith.constant 0 : index
    %swap3A_54 = vector.load %arg3[%swap3A_50, %swap3A_51, %swap3A_52, %swap3A_53] : memref<1x4x2048x128xf32, #tpu.memory_space<vmem>>, vector<1x1x2048x128xf32>
    %swap3A_55 = vector.shape_cast %swap3A_54 : vector<1x1x2048x128xf32> to vector<2048x128xf32>
    %swap3A_56 = vector.shape_cast %dot_general3A_49 : vector<2048x128xf32> to vector<1x1x2048x128xf32>
    tpu.vector_store %arg3[%swap3A_50, %swap3A_51, %swap3A_52, %swap3A_53], %swap3A_56 {strides = array<i32>} : memref<1x4x2048x128xf32, #tpu.memory_space<vmem>>, vector<1x1x2048x128xf32>,
    return
  }
  func.func @transform_0(%arg0: i32) -> (i32, i32) {
    %c0_i32 = arith.constant 0 : i32
    %c0_i32_0 = arith.constant 0 : i32
    return %arg0, %c0_i32 : i32, i32
  }
  func.func @transform_1(%arg0: i32) -> (i32, i32) {
    %c0_i32 = arith.constant 0 : i32
    %c0_i32_0 = arith.constant 0 : i32
    %c0_i32_1 = arith.constant 0 : i32
    return %c0_i32, %c0_i32_0 : i32, i32
  }
  func.func @transform_2(%arg0: i32) -> (i32, i32, i32, i32) {
    %c0_i32 = arith.constant 0 : i32
    %c0_i32_0 = arith.constant 0 : i32
    %c0_i32_1 = arith.constant 0 : i32
    %c0_i32_2 = arith.constant 0 : i32
    return %c0_i32, %c0_i32_0, %arg0, %c0_i32_1 : i32, i32, i32, i32
  }
}

module attributes {stable_mosaic.version = 14 : i64} {
  func.func @body(%arg0: i32, %arg1: memref<2048x128xf32, #tpu.memory_space<vmem>>, %arg2: memref<32x128xf32, #tpu.memory_space<vmem>>, %arg3: memref<4x4x26624x128xf32, #tpu.memory_space<any>>, %arg4: memref<1x4x2048x128xf32, #tpu.memory_space<vmem>>) attributes {dimension_semantics = [#tpu.dimension_semantics<arbitrary>], iteration_bounds = array<i64: 13>, scalar_prefetch = 0 : i64, scratch_operands = 0 : i64, tpu.core_type = #tpu.core_type<tc>, window_params = [{transform_indices = @transform_0, window_bounds = array<i64: 2048, 128>}, {pipeline_mode = #tpu.pipeline_mode<synchronous>, transform_indices = @transform_1, window_bounds = array<i64: 32, 128>}, {}, {transform_indices = @transform_3, window_bounds = array<i64: 1, 4, 2048, 128>}]} {
    %get3A = arith.constant 0 : index
    %get3A_0 = arith.constant 0 : index
    %get3A_1 = vector.load %arg1[%get3A, %get3A_0] : memref<2048x128xf32, #tpu.memory_space<vmem>>, vector<2048x32xf32>
    %get3A_2 = arith.constant 0 : index
    %get3A_3 = arith.constant 0 : index
    %get3A_4 = vector.load %arg2[%get3A_2, %get3A_3] : memref<32x128xf32, #tpu.memory_space<vmem>>, vector<32x128xf32>
    %dot_general3A = arith.constant dense<0.000000e+00> : vector<2048x128xf32>
    %dot_general3A_5 = tpu.matmul %get3A_1, %get3A_4, %dot_general3A {dimension_numbers = #tpu.dot_dimension_numbers<[1], [0], [0], [1], [0, 0, 1, 1], [], []>, transpose_lhs_hint = false} : vector<2048x32xf32>, vector<32x128xf32>, vector<2048x128xf32> -> vector<2048x128xf32>
    %swap3A = arith.constant 0 : index
    %swap3A_6 = arith.constant 0 : index
    %swap3A_7 = arith.constant 0 : index
    %swap3A_8 = arith.constant 0 : index
    %swap3A_9 = vector.load %arg4[%swap3A, %swap3A_6, %swap3A_7, %swap3A_8] : memref<1x4x2048x128xf32, #tpu.memory_space<vmem>>, vector<1x1x2048x128xf32>
    %swap3A_10 = vector.shape_cast %swap3A_9 : vector<1x1x2048x128xf32> to vector<2048x128xf32>
    %swap3A_11 = vector.shape_cast %dot_general3A_5 : vector<2048x128xf32> to vector<1x1x2048x128xf32>
    tpu.vector_store %arg4[%swap3A, %swap3A_6, %swap3A_7, %swap3A_8], %swap3A_11 {strides = array<i32>} : memref<1x4x2048x128xf32, #tpu.memory_space<vmem>>, vector<1x1x2048x128xf32>,
    %get3A_12 = arith.constant 0 : index
    %get3A_13 = arith.constant 32 : index
    %get3A_14 = vector.load %arg1[%get3A_12, %get3A_13] : memref<2048x128xf32, #tpu.memory_space<vmem>>, vector<2048x32xf32>
    %get3A_15 = arith.constant 0 : index
    %get3A_16 = arith.constant 0 : index
    %get3A_17 = vector.load %arg2[%get3A_15, %get3A_16] : memref<32x128xf32, #tpu.memory_space<vmem>>, vector<32x128xf32>
    %dot_general3A_18 = arith.constant dense<0.000000e+00> : vector<2048x128xf32>
    %dot_general3A_19 = tpu.matmul %get3A_14, %get3A_17, %dot_general3A_18 {dimension_numbers = #tpu.dot_dimension_numbers<[1], [0], [0], [1], [0, 0, 1, 1], [], []>, transpose_lhs_hint = false} : vector<2048x32xf32>, vector<32x128xf32>, vector<2048x128xf32> -> vector<2048x128xf32>
    %swap3A_20 = arith.constant 0 : index
    %swap3A_21 = arith.constant 1 : index
    %swap3A_22 = arith.constant 0 : index
    %swap3A_23 = arith.constant 0 : index
    %swap3A_24 = vector.load %arg4[%swap3A_20, %swap3A_21, %swap3A_22, %swap3A_23] : memref<1x4x2048x128xf32, #tpu.memory_space<vmem>>, vector<1x1x2048x128xf32>
    %swap3A_25 = vector.shape_cast %swap3A_24 : vector<1x1x2048x128xf32> to vector<2048x128xf32>
    %swap3A_26 = vector.shape_cast %dot_general3A_19 : vector<2048x128xf32> to vector<1x1x2048x128xf32>
    tpu.vector_store %arg4[%swap3A_20, %swap3A_21, %swap3A_22, %swap3A_23], %swap3A_26 {strides = array<i32>} : memref<1x4x2048x128xf32, #tpu.memory_space<vmem>>, vector<1x1x2048x128xf32>,
    %get3A_27 = arith.constant 0 : index
    %get3A_28 = arith.constant 64 : index
    %get3A_29 = vector.load %arg1[%get3A_27, %get3A_28] : memref<2048x128xf32, #tpu.memory_space<vmem>>, vector<2048x32xf32>
    %get3A_30 = arith.constant 0 : index
    %get3A_31 = arith.constant 0 : index
    %get3A_32 = vector.load %arg2[%get3A_30, %get3A_31] : memref<32x128xf32, #tpu.memory_space<vmem>>, vector<32x128xf32>
    %dot_general3A_33 = arith.constant dense<0.000000e+00> : vector<2048x128xf32>
    %dot_general3A_34 = tpu.matmul %get3A_29, %get3A_32, %dot_general3A_33 {dimension_numbers = #tpu.dot_dimension_numbers<[1], [0], [0], [1], [0, 0, 1, 1], [], []>, transpose_lhs_hint = false} : vector<2048x32xf32>, vector<32x128xf32>, vector<2048x128xf32> -> vector<2048x128xf32>
    %swap3A_35 = arith.constant 0 : index
    %swap3A_36 = arith.constant 2 : index
    %swap3A_37 = arith.constant 0 : index
    %swap3A_38 = arith.constant 0 : index
    %swap3A_39 = vector.load %arg4[%swap3A_35, %swap3A_36, %swap3A_37, %swap3A_38] : memref<1x4x2048x128xf32, #tpu.memory_space<vmem>>, vector<1x1x2048x128xf32>
    %swap3A_40 = vector.shape_cast %swap3A_39 : vector<1x1x2048x128xf32> to vector<2048x128xf32>
    %swap3A_41 = vector.shape_cast %dot_general3A_34 : vector<2048x128xf32> to vector<1x1x2048x128xf32>
    tpu.vector_store %arg4[%swap3A_35, %swap3A_36, %swap3A_37, %swap3A_38], %swap3A_41 {strides = array<i32>} : memref<1x4x2048x128xf32, #tpu.memory_space<vmem>>, vector<1x1x2048x128xf32>,
    %get3A_42 = arith.constant 0 : index
    %get3A_43 = arith.constant 96 : index
    %get3A_44 = vector.load %arg1[%get3A_42, %get3A_43] : memref<2048x128xf32, #tpu.memory_space<vmem>>, vector<2048x32xf32>
    %get3A_45 = arith.constant 0 : index
    %get3A_46 = arith.constant 0 : index
    %get3A_47 = vector.load %arg2[%get3A_45, %get3A_46] : memref<32x128xf32, #tpu.memory_space<vmem>>, vector<32x128xf32>
    %dot_general3A_48 = arith.constant dense<0.000000e+00> : vector<2048x128xf32>
    %dot_general3A_49 = tpu.matmul %get3A_44, %get3A_47, %dot_general3A_48 {dimension_numbers = #tpu.dot_dimension_numbers<[1], [0], [0], [1], [0, 0, 1, 1], [], []>, transpose_lhs_hint = false} : vector<2048x32xf32>, vector<32x128xf32>, vector<2048x128xf32> -> vector<2048x128xf32>
    %swap3A_50 = arith.constant 0 : index
    %swap3A_51 = arith.constant 3 : index
    %swap3A_52 = arith.constant 0 : index
    %swap3A_53 = arith.constant 0 : index
    %swap3A_54 = vector.load %arg4[%swap3A_50, %swap3A_51, %swap3A_52, %swap3A_53] : memref<1x4x2048x128xf32, #tpu.memory_space<vmem>>, vector<1x1x2048x128xf32>
    %swap3A_55 = vector.shape_cast %swap3A_54 : vector<1x1x2048x128xf32> to vector<2048x128xf32>
    %swap3A_56 = vector.shape_cast %dot_general3A_49 : vector<2048x128xf32> to vector<1x1x2048x128xf32>
    tpu.vector_store %arg4[%swap3A_50, %swap3A_51, %swap3A_52, %swap3A_53], %swap3A_56 {strides = array<i32>} : memref<1x4x2048x128xf32, #tpu.memory_space<vmem>>, vector<1x1x2048x128xf32>,
    return
  }
  func.func @transform_0(%arg0: i32) -> (i32, i32) {
    %c0_i32 = arith.constant 0 : i32
    %c0_i32_0 = arith.constant 0 : i32
    return %arg0, %c0_i32 : i32, i32
  }
  func.func @transform_1(%arg0: i32) -> (i32, i32) {
    %c0_i32 = arith.constant 0 : i32
    %c0_i32_0 = arith.constant 0 : i32
    %c0_i32_1 = arith.constant 0 : i32
    return %c0_i32, %c0_i32_0 : i32, i32
  }
  func.func @transform_3(%arg0: i32) -> (i32, i32, i32, i32) {
    %c1_i32 = arith.constant 1 : i32
    %c0_i32 = arith.constant 0 : i32
    %c0_i32_0 = arith.constant 0 : i32
    %c0_i32_1 = arith.constant 0 : i32
    return %c1_i32, %c0_i32, %arg0, %c0_i32_0 : i32, i32, i32, i32
  }
}

module attributes {stable_mosaic.version = 14 : i64} {
  func.func @body(%arg0: i32, %arg1: memref<2048x128xf32, #tpu.memory_space<vmem>>, %arg2: memref<32x128xf32, #tpu.memory_space<vmem>>, %arg3: memref<4x4x26624x128xf32, #tpu.memory_space<any>>, %arg4: memref<1x4x2048x128xf32, #tpu.memory_space<vmem>>) attributes {dimension_semantics = [#tpu.dimension_semantics<arbitrary>], iteration_bounds = array<i64: 13>, scalar_prefetch = 0 : i64, scratch_operands = 0 : i64, tpu.core_type = #tpu.core_type<tc>, window_params = [{transform_indices = @transform_0, window_bounds = array<i64: 2048, 128>}, {pipeline_mode = #tpu.pipeline_mode<synchronous>, transform_indices = @transform_1, window_bounds = array<i64: 32, 128>}, {}, {transform_indices = @transform_3, window_bounds = array<i64: 1, 4, 2048, 128>}]} {
    %get3A = arith.constant 0 : index
    %get3A_0 = arith.constant 0 : index
    %get3A_1 = vector.load %arg1[%get3A, %get3A_0] : memref<2048x128xf32, #tpu.memory_space<vmem>>, vector<2048x32xf32>
    %get3A_2 = arith.constant 0 : index
    %get3A_3 = arith.constant 0 : index
    %get3A_4 = vector.load %arg2[%get3A_2, %get3A_3] : memref<32x128xf32, #tpu.memory_space<vmem>>, vector<32x128xf32>
    %dot_general3A = arith.constant dense<0.000000e+00> : vector<2048x128xf32>
    %dot_general3A_5 = tpu.matmul %get3A_1, %get3A_4, %dot_general3A {dimension_numbers = #tpu.dot_dimension_numbers<[1], [0], [0], [1], [0, 0, 1, 1], [], []>, transpose_lhs_hint = false} : vector<2048x32xf32>, vector<32x128xf32>, vector<2048x128xf32> -> vector<2048x128xf32>
    %swap3A = arith.constant 0 : index
    %swap3A_6 = arith.constant 0 : index
    %swap3A_7 = arith.constant 0 : index
    %swap3A_8 = arith.constant 0 : index
    %swap3A_9 = vector.load %arg4[%swap3A, %swap3A_6, %swap3A_7, %swap3A_8] : memref<1x4x2048x128xf32, #tpu.memory_space<vmem>>, vector<1x1x2048x128xf32>
    %swap3A_10 = vector.shape_cast %swap3A_9 : vector<1x1x2048x128xf32> to vector<2048x128xf32>
    %swap3A_11 = vector.shape_cast %dot_general3A_5 : vector<2048x128xf32> to vector<1x1x2048x128xf32>
    tpu.vector_store %arg4[%swap3A, %swap3A_6, %swap3A_7, %swap3A_8], %swap3A_11 {strides = array<i32>} : memref<1x4x2048x128xf32, #tpu.memory_space<vmem>>, vector<1x1x2048x128xf32>,
    %get3A_12 = arith.constant 0 : index
    %get3A_13 = arith.constant 32 : index
    %get3A_14 = vector.load %arg1[%get3A_12, %get3A_13] : memref<2048x128xf32, #tpu.memory_space<vmem>>, vector<2048x32xf32>
    %get3A_15 = arith.constant 0 : index
    %get3A_16 = arith.constant 0 : index
    %get3A_17 = vector.load %arg2[%get3A_15, %get3A_16] : memref<32x128xf32, #tpu.memory_space<vmem>>, vector<32x128xf32>
    %dot_general3A_18 = arith.constant dense<0.000000e+00> : vector<2048x128xf32>
    %dot_general3A_19 = tpu.matmul %get3A_14, %get3A_17, %dot_general3A_18 {dimension_numbers = #tpu.dot_dimension_numbers<[1], [0], [0], [1], [0, 0, 1, 1], [], []>, transpose_lhs_hint = false} : vector<2048x32xf32>, vector<32x128xf32>, vector<2048x128xf32> -> vector<2048x128xf32>
    %swap3A_20 = arith.constant 0 : index
    %swap3A_21 = arith.constant 1 : index
    %swap3A_22 = arith.constant 0 : index
    %swap3A_23 = arith.constant 0 : index
    %swap3A_24 = vector.load %arg4[%swap3A_20, %swap3A_21, %swap3A_22, %swap3A_23] : memref<1x4x2048x128xf32, #tpu.memory_space<vmem>>, vector<1x1x2048x128xf32>
    %swap3A_25 = vector.shape_cast %swap3A_24 : vector<1x1x2048x128xf32> to vector<2048x128xf32>
    %swap3A_26 = vector.shape_cast %dot_general3A_19 : vector<2048x128xf32> to vector<1x1x2048x128xf32>
    tpu.vector_store %arg4[%swap3A_20, %swap3A_21, %swap3A_22, %swap3A_23], %swap3A_26 {strides = array<i32>} : memref<1x4x2048x128xf32, #tpu.memory_space<vmem>>, vector<1x1x2048x128xf32>,
    %get3A_27 = arith.constant 0 : index
    %get3A_28 = arith.constant 64 : index
    %get3A_29 = vector.load %arg1[%get3A_27, %get3A_28] : memref<2048x128xf32, #tpu.memory_space<vmem>>, vector<2048x32xf32>
    %get3A_30 = arith.constant 0 : index
    %get3A_31 = arith.constant 0 : index
    %get3A_32 = vector.load %arg2[%get3A_30, %get3A_31] : memref<32x128xf32, #tpu.memory_space<vmem>>, vector<32x128xf32>
    %dot_general3A_33 = arith.constant dense<0.000000e+00> : vector<2048x128xf32>
    %dot_general3A_34 = tpu.matmul %get3A_29, %get3A_32, %dot_general3A_33 {dimension_numbers = #tpu.dot_dimension_numbers<[1], [0], [0], [1], [0, 0, 1, 1], [], []>, transpose_lhs_hint = false} : vector<2048x32xf32>, vector<32x128xf32>, vector<2048x128xf32> -> vector<2048x128xf32>
    %swap3A_35 = arith.constant 0 : index
    %swap3A_36 = arith.constant 2 : index
    %swap3A_37 = arith.constant 0 : index
    %swap3A_38 = arith.constant 0 : index
    %swap3A_39 = vector.load %arg4[%swap3A_35, %swap3A_36, %swap3A_37, %swap3A_38] : memref<1x4x2048x128xf32, #tpu.memory_space<vmem>>, vector<1x1x2048x128xf32>
    %swap3A_40 = vector.shape_cast %swap3A_39 : vector<1x1x2048x128xf32> to vector<2048x128xf32>
    %swap3A_41 = vector.shape_cast %dot_general3A_34 : vector<2048x128xf32> to vector<1x1x2048x128xf32>
    tpu.vector_store %arg4[%swap3A_35, %swap3A_36, %swap3A_37, %swap3A_38], %swap3A_41 {strides = array<i32>} : memref<1x4x2048x128xf32, #tpu.memory_space<vmem>>, vector<1x1x2048x128xf32>,
    %get3A_42 = arith.constant 0 : index
    %get3A_43 = arith.constant 96 : index
    %get3A_44 = vector.load %arg1[%get3A_42, %get3A_43] : memref<2048x128xf32, #tpu.memory_space<vmem>>, vector<2048x32xf32>
    %get3A_45 = arith.constant 0 : index
    %get3A_46 = arith.constant 0 : index
    %get3A_47 = vector.load %arg2[%get3A_45, %get3A_46] : memref<32x128xf32, #tpu.memory_space<vmem>>, vector<32x128xf32>
    %dot_general3A_48 = arith.constant dense<0.000000e+00> : vector<2048x128xf32>
    %dot_general3A_49 = tpu.matmul %get3A_44, %get3A_47, %dot_general3A_48 {dimension_numbers = #tpu.dot_dimension_numbers<[1], [0], [0], [1], [0, 0, 1, 1], [], []>, transpose_lhs_hint = false} : vector<2048x32xf32>, vector<32x128xf32>, vector<2048x128xf32> -> vector<2048x128xf32>
    %swap3A_50 = arith.constant 0 : index
    %swap3A_51 = arith.constant 3 : index
    %swap3A_52 = arith.constant 0 : index
    %swap3A_53 = arith.constant 0 : index
    %swap3A_54 = vector.load %arg4[%swap3A_50, %swap3A_51, %swap3A_52, %swap3A_53] : memref<1x4x2048x128xf32, #tpu.memory_space<vmem>>, vector<1x1x2048x128xf32>
    %swap3A_55 = vector.shape_cast %swap3A_54 : vector<1x1x2048x128xf32> to vector<2048x128xf32>
    %swap3A_56 = vector.shape_cast %dot_general3A_49 : vector<2048x128xf32> to vector<1x1x2048x128xf32>
    tpu.vector_store %arg4[%swap3A_50, %swap3A_51, %swap3A_52, %swap3A_53], %swap3A_56 {strides = array<i32>} : memref<1x4x2048x128xf32, #tpu.memory_space<vmem>>, vector<1x1x2048x128xf32>,
    return
  }
  func.func @transform_0(%arg0: i32) -> (i32, i32) {
    %c0_i32 = arith.constant 0 : i32
    %c0_i32_0 = arith.constant 0 : i32
    return %arg0, %c0_i32 : i32, i32
  }
  func.func @transform_1(%arg0: i32) -> (i32, i32) {
    %c0_i32 = arith.constant 0 : i32
    %c0_i32_0 = arith.constant 0 : i32
    %c0_i32_1 = arith.constant 0 : i32
    return %c0_i32, %c0_i32_0 : i32, i32
  }
  func.func @transform_3(%arg0: i32) -> (i32, i32, i32, i32) {
    %c2_i32 = arith.constant 2 : i32
    %c0_i32 = arith.constant 0 : i32
    %c0_i32_0 = arith.constant 0 : i32
    %c0_i32_1 = arith.constant 0 : i32
    return %c2_i32, %c0_i32, %arg0, %c0_i32_0 : i32, i32, i32, i32
  }
}

module attributes {stable_mosaic.version = 14 : i64} {
  func.func @body(%arg0: i32, %arg1: memref<2048x128xf32, #tpu.memory_space<vmem>>, %arg2: memref<32x128xf32, #tpu.memory_space<vmem>>, %arg3: memref<4x4x26624x128xf32, #tpu.memory_space<any>>, %arg4: memref<1x4x2048x128xf32, #tpu.memory_space<vmem>>) attributes {dimension_semantics = [#tpu.dimension_semantics<arbitrary>], iteration_bounds = array<i64: 13>, scalar_prefetch = 0 : i64, scratch_operands = 0 : i64, tpu.core_type = #tpu.core_type<tc>, window_params = [{transform_indices = @transform_0, window_bounds = array<i64: 2048, 128>}, {pipeline_mode = #tpu.pipeline_mode<synchronous>, transform_indices = @transform_1, window_bounds = array<i64: 32, 128>}, {}, {transform_indices = @transform_3, window_bounds = array<i64: 1, 4, 2048, 128>}]} {
    %get3A = arith.constant 0 : index
    %get3A_0 = arith.constant 0 : index
    %get3A_1 = vector.load %arg1[%get3A, %get3A_0] : memref<2048x128xf32, #tpu.memory_space<vmem>>, vector<2048x32xf32>
    %get3A_2 = arith.constant 0 : index
    %get3A_3 = arith.constant 0 : index
    %get3A_4 = vector.load %arg2[%get3A_2, %get3A_3] : memref<32x128xf32, #tpu.memory_space<vmem>>, vector<32x128xf32>
    %dot_general3A = arith.constant dense<0.000000e+00> : vector<2048x128xf32>
    %dot_general3A_5 = tpu.matmul %get3A_1, %get3A_4, %dot_general3A {dimension_numbers = #tpu.dot_dimension_numbers<[1], [0], [0], [1], [0, 0, 1, 1], [], []>, transpose_lhs_hint = false} : vector<2048x32xf32>, vector<32x128xf32>, vector<2048x128xf32> -> vector<2048x128xf32>
    %swap3A = arith.constant 0 : index
    %swap3A_6 = arith.constant 0 : index
    %swap3A_7 = arith.constant 0 : index
    %swap3A_8 = arith.constant 0 : index
    %swap3A_9 = vector.load %arg4[%swap3A, %swap3A_6, %swap3A_7, %swap3A_8] : memref<1x4x2048x128xf32, #tpu.memory_space<vmem>>, vector<1x1x2048x128xf32>
    %swap3A_10 = vector.shape_cast %swap3A_9 : vector<1x1x2048x128xf32> to vector<2048x128xf32>
    %swap3A_11 = vector.shape_cast %dot_general3A_5 : vector<2048x128xf32> to vector<1x1x2048x128xf32>
    tpu.vector_store %arg4[%swap3A, %swap3A_6, %swap3A_7, %swap3A_8], %swap3A_11 {strides = array<i32>} : memref<1x4x2048x128xf32, #tpu.memory_space<vmem>>, vector<1x1x2048x128xf32>,
    %get3A_12 = arith.constant 0 : index
    %get3A_13 = arith.constant 32 : index
    %get3A_14 = vector.load %arg1[%get3A_12, %get3A_13] : memref<2048x128xf32, #tpu.memory_space<vmem>>, vector<2048x32xf32>
    %get3A_15 = arith.constant 0 : index
    %get3A_16 = arith.constant 0 : index
    %get3A_17 = vector.load %arg2[%get3A_15, %get3A_16] : memref<32x128xf32, #tpu.memory_space<vmem>>, vector<32x128xf32>
    %dot_general3A_18 = arith.constant dense<0.000000e+00> : vector<2048x128xf32>
    %dot_general3A_19 = tpu.matmul %get3A_14, %get3A_17, %dot_general3A_18 {dimension_numbers = #tpu.dot_dimension_numbers<[1], [0], [0], [1], [0, 0, 1, 1], [], []>, transpose_lhs_hint = false} : vector<2048x32xf32>, vector<32x128xf32>, vector<2048x128xf32> -> vector<2048x128xf32>
    %swap3A_20 = arith.constant 0 : index
    %swap3A_21 = arith.constant 1 : index
    %swap3A_22 = arith.constant 0 : index
    %swap3A_23 = arith.constant 0 : index
    %swap3A_24 = vector.load %arg4[%swap3A_20, %swap3A_21, %swap3A_22, %swap3A_23] : memref<1x4x2048x128xf32, #tpu.memory_space<vmem>>, vector<1x1x2048x128xf32>
    %swap3A_25 = vector.shape_cast %swap3A_24 : vector<1x1x2048x128xf32> to vector<2048x128xf32>
    %swap3A_26 = vector.shape_cast %dot_general3A_19 : vector<2048x128xf32> to vector<1x1x2048x128xf32>
    tpu.vector_store %arg4[%swap3A_20, %swap3A_21, %swap3A_22, %swap3A_23], %swap3A_26 {strides = array<i32>} : memref<1x4x2048x128xf32, #tpu.memory_space<vmem>>, vector<1x1x2048x128xf32>,
    %get3A_27 = arith.constant 0 : index
    %get3A_28 = arith.constant 64 : index
    %get3A_29 = vector.load %arg1[%get3A_27, %get3A_28] : memref<2048x128xf32, #tpu.memory_space<vmem>>, vector<2048x32xf32>
    %get3A_30 = arith.constant 0 : index
    %get3A_31 = arith.constant 0 : index
    %get3A_32 = vector.load %arg2[%get3A_30, %get3A_31] : memref<32x128xf32, #tpu.memory_space<vmem>>, vector<32x128xf32>
    %dot_general3A_33 = arith.constant dense<0.000000e+00> : vector<2048x128xf32>
    %dot_general3A_34 = tpu.matmul %get3A_29, %get3A_32, %dot_general3A_33 {dimension_numbers = #tpu.dot_dimension_numbers<[1], [0], [0], [1], [0, 0, 1, 1], [], []>, transpose_lhs_hint = false} : vector<2048x32xf32>, vector<32x128xf32>, vector<2048x128xf32> -> vector<2048x128xf32>
    %swap3A_35 = arith.constant 0 : index
    %swap3A_36 = arith.constant 2 : index
    %swap3A_37 = arith.constant 0 : index
    %swap3A_38 = arith.constant 0 : index
    %swap3A_39 = vector.load %arg4[%swap3A_35, %swap3A_36, %swap3A_37, %swap3A_38] : memref<1x4x2048x128xf32, #tpu.memory_space<vmem>>, vector<1x1x2048x128xf32>
    %swap3A_40 = vector.shape_cast %swap3A_39 : vector<1x1x2048x128xf32> to vector<2048x128xf32>
    %swap3A_41 = vector.shape_cast %dot_general3A_34 : vector<2048x128xf32> to vector<1x1x2048x128xf32>
    tpu.vector_store %arg4[%swap3A_35, %swap3A_36, %swap3A_37, %swap3A_38], %swap3A_41 {strides = array<i32>} : memref<1x4x2048x128xf32, #tpu.memory_space<vmem>>, vector<1x1x2048x128xf32>,
    %get3A_42 = arith.constant 0 : index
    %get3A_43 = arith.constant 96 : index
    %get3A_44 = vector.load %arg1[%get3A_42, %get3A_43] : memref<2048x128xf32, #tpu.memory_space<vmem>>, vector<2048x32xf32>
    %get3A_45 = arith.constant 0 : index
    %get3A_46 = arith.constant 0 : index
    %get3A_47 = vector.load %arg2[%get3A_45, %get3A_46] : memref<32x128xf32, #tpu.memory_space<vmem>>, vector<32x128xf32>
    %dot_general3A_48 = arith.constant dense<0.000000e+00> : vector<2048x128xf32>
    %dot_general3A_49 = tpu.matmul %get3A_44, %get3A_47, %dot_general3A_48 {dimension_numbers = #tpu.dot_dimension_numbers<[1], [0], [0], [1], [0, 0, 1, 1], [], []>, transpose_lhs_hint = false} : vector<2048x32xf32>, vector<32x128xf32>, vector<2048x128xf32> -> vector<2048x128xf32>
    %swap3A_50 = arith.constant 0 : index
    %swap3A_51 = arith.constant 3 : index
    %swap3A_52 = arith.constant 0 : index
    %swap3A_53 = arith.constant 0 : index
    %swap3A_54 = vector.load %arg4[%swap3A_50, %swap3A_51, %swap3A_52, %swap3A_53] : memref<1x4x2048x128xf32, #tpu.memory_space<vmem>>, vector<1x1x2048x128xf32>
    %swap3A_55 = vector.shape_cast %swap3A_54 : vector<1x1x2048x128xf32> to vector<2048x128xf32>
    %swap3A_56 = vector.shape_cast %dot_general3A_49 : vector<2048x128xf32> to vector<1x1x2048x128xf32>
    tpu.vector_store %arg4[%swap3A_50, %swap3A_51, %swap3A_52, %swap3A_53], %swap3A_56 {strides = array<i32>} : memref<1x4x2048x128xf32, #tpu.memory_space<vmem>>, vector<1x1x2048x128xf32>,
    return
  }
  func.func @transform_0(%arg0: i32) -> (i32, i32) {
    %c0_i32 = arith.constant 0 : i32
    %c0_i32_0 = arith.constant 0 : i32
    return %arg0, %c0_i32 : i32, i32
  }
  func.func @transform_1(%arg0: i32) -> (i32, i32) {
    %c0_i32 = arith.constant 0 : i32
    %c0_i32_0 = arith.constant 0 : i32
    %c0_i32_1 = arith.constant 0 : i32
    return %c0_i32, %c0_i32_0 : i32, i32
  }
  func.func @transform_3(%arg0: i32) -> (i32, i32, i32, i32) {
    %c3_i32 = arith.constant 3 : i32
    %c0_i32 = arith.constant 0 : i32
    %c0_i32_0 = arith.constant 0 : i32
    %c0_i32_1 = arith.constant 0 : i32
    return %c3_i32, %c0_i32, %arg0, %c0_i32_0 : i32, i32, i32, i32
  }
}

</mosaic_0001>

<sc_bundles>
// kernel: kernel.11.cloned.1.call-start
scs
__scs_entry_jumppad:
0x0: {  	(pc) =	sbr.rel $0x88, $3  }
0x1: {  	(tag) =	ssettag $0x0;
	lr =	simm.s32 $0x1  }
0x2: {  	[smem:$0x3F9E] =	sst lr;
	_ =	strace $0xD0000000  }
0x3: {  	_ = 	snop  }
0x4: {  	_ = 	snop  }
0x5: {  	_ = 	snop  }
0x6: {  	_ = 	snop  }
0x7: {  	_ = 	snop  }
__scs_overlays_trampoline_lowered:
0x8: {  	[smem:$0x3FAD] =	sst s0  }
0x9: {  	[smem:$0x3FAE] =	sst s1  }
0xa: {  	[smem:$0x3FAF] =	sst s2  }
0xb: {  	[smem:$0x3FB0] =	sst s3  }
0xc: {  	[smem:$0x3FB1] =	sst s4  }
0xd: {  	[smem:$0x3FB2] =	sst s5  }
0xe: {  	[smem:$0x3FB3] =	sst s6  }
0xf: {  	[smem:$0x3FB4] =	sst s7  }
0x10: {  	[smem:$0x3FB5] =	sst s8  }
0x11: {  	[smem:$0x3FB6] =	sst s9;
	s0 =	simm.s32 @!p0 $0x0  }
0x12: {  	s1 =	sld [smem:$0x3F9C];
	s0 =	simm.s32 @p0 $0x1  }
0x13: {  	[smem:$0x3FB7] =	sst s0;
	s0 =	simm.s32 @!p1 $0x0  }
0x14: {  	s2 =	sld [smem:$0x3F9B];
	s0 =	simm.s32 @p1 $0x1  }
0x15: {  	[smem:$0x3FB8] =	sst s0;
	s0 =	simm.s32 @!p2 $0x0  }
0x16: {  	s3 =	sld [smem:$0x3FDB];
	s0 =	simm.s32 @p2 $0x1  }
0x17: {  	s4 =	simm.s32 $0x1BF5;
	[smem:$0x3FBA] =	sst s0  }
0x18: {  	s0 =	sld [smem:$0x3F9D];
	_ =	swait.ge [sflag:s4], $0x0  }
0x19: {  	s7 =	sld [smem:$0x3F9E]  }
0x1a: {  	s8 =	sadd.s32 $0xFFFFE003, lr  }
0x1b: {  	s9 =	sadd.s32 $0xFFFFFEF7, lr;
	s5 =	simm.s32 $0xFFFFFFFF;
	p2 =	slt.u32 s8, $0xFFFFF086  }
0x1c: {  	p1 =	slt.u32 s9, $0xF7A;
	s5 =	simm.s32 @!p2 $0x0  }
0x1d: {  	s5 =	simm.s32 @p1 $0x1;
	p0 =	seq.s32 s7, s2  }
0x1e: {  	s7 =	smul.u32 @!p0 $0xF7A, s2;
	p2 =	seq.s32 @!p0 s5, $0x0  }
0x1f: {  	s9 =	smul.u32 $0xF7A, s1;
	s8 =	simm.s32 @!p0 $0x1BF5;
	p2 =	por !p2, p0  }
0x20: {  	[sflag:s8] =	ssyncset.s32 @!p0 $0xFFFFF086;
	s6 =	sadd.s32 @!p0 s3, s7;
	s7 =	simm.s32 @!p0 $0x108  }
0x21: {  	s3 =	sadd.s32 s3, s9;
	s6 =	sadd.s32 @!p0 $0x88, s6;
	s7 =	simm.s32 @p2 $0x1082  }
0x22: {  	[simem:s7], [sflag:s8] =	dma.local @!p0 [hbm:s6], $0xF7A  }
0x23: {  	s9 =	sor.u32 $0xD0000000, s2;
	s6 =	simm.s32 $0x108;
	_ =	swait.ge @!p0 [sflag:s8], $0x0  }
0x24: {  	s3 =	sadd.s32 $0x88, s3;
	s6 =	simm.s32 @!p1 $0x1082;
	[sflag:s4] =	ssyncset.s32 $0xFFFFF086  }
0x25: {  	[simem:s6], [sflag:s4] =	dma.local [hbm:s3], $0xF7A  }
0x26: {  	[smem:$0x3F9E] =	sst s1;
	(tag) =	ssettag s2;
	_ =	strace s9  }
0x27: {  	s1 =	sld [smem:$0x3FAE]  }
0x28: {  	s2 =	sld [smem:$0x3FAF]  }
0x29: {  	s4 =	sld [smem:$0x3FB1]  }
0x2a: {  	p0 =	seq.s32 s5, $0x0;
	s5 =	sld [smem:$0x3FB2]  }
0x2b: {  	s6 =	sld [smem:$0x3FB3]  }
0x2c: {  	s7 =	sld [smem:$0x3FB4]  }
0x2d: {  	s3 =	simm.s32 $0x108;
	s8 =	sld [smem:$0x3FB5]  }
0x2e: {  	s3 =	simm.s32 @!p0 $0x1082;
	s9 =	sld [smem:$0x3FB6]  }
0x2f: {  	lr =	sadd.s32 s0, s3;
	s0 =	sld [smem:$0x3FAD]  }
0x30: {  	s3 =	sld [smem:$0x3FB0]  }
0x31: {  	[smem:$0x3FB9] =	sst s10  }
0x32: {  	s10 =	sld [smem:$0x3FB7];
	_ =	sdelay $0x3  }
0x33: {  	p0 =	seq.s32 s10, $0x1;
	s10 =	sld [smem:$0x3FB9];
	_ =	sdelay $0x3  }
0x34: {  	[smem:$0x3FB9] =	sst s10  }
0x35: {  	s10 =	sld [smem:$0x3FB8];
	_ =	sdelay $0x3  }
0x36: {  	p1 =	seq.s32 s10, $0x1;
	s10 =	sld [smem:$0x3FB9];
	_ =	sdelay $0x3  }
0x37: {  	[smem:$0x3FB9] =	sst s10  }
0x38: {  	s10 =	sld [smem:$0x3FBA]  }
0x39: {  	_ = 	snop;
	(pc) =	sbr.ind lr, $3  }
0x3a: {  	_ = 	snop  }
0x3b: {  	_ = 	snop  }
0x3c: {  	p2 =	seq.s32 s10, $0x1;
	s10 =	sld [smem:$0x3FB9]  }
0x3d: {  	_ =	shalt  }
0x3e: {  	_ =	shalt  }
0x3f: {  	_ =	shalt  }
0x40: {  	_ =	shalt  }
0x41: {  	_ =	shalt  }
0x42: {  	_ =	shalt  }
0x43: {  	_ =	shalt  }
0x44: {  	_ =	shalt  }
0x45: {  	_ =	shalt  }
0x46: {  	_ =	shalt  }
0x47: {  	_ =	shalt  }
0x48: {  	_ =	shalt  }
0x49: {  	_ =	shalt  }
0x4a: {  	_ =	shalt  }
0x4b: {  	_ =	shalt  }
0x4c: {  	_ =	shalt  }
0x4d: {  	_ =	shalt  }
0x4e: {  	_ =	shalt  }
0x4f: {  	_ =	shalt  }
0x50: {  	_ =	shalt  }
0x51: {  	_ =	shalt  }
0x52: {  	_ =	shalt  }
0x53: {  	_ =	shalt  }
0x54: {  	_ =	shalt  }
0x55: {  	_ =	shalt  }
0x56: {  	_ =	shalt  }
0x57: {  	_ =	shalt  }
0x58: {  	_ =	shalt  }
0x59: {  	_ =	shalt  }
0x5a: {  	_ =	shalt  }
0x5b: {  	_ =	shalt  }
0x5c: {  	_ =	shalt  }
0x5d: {  	_ =	shalt  }
0x5e: {  	_ =	shalt  }
0x5f: {  	_ =	shalt  }
0x60: {  	_ =	shalt  }
0x61: {  	_ =	shalt  }
0x62: {  	_ =	shalt  }
0x63: {  	_ =	shalt  }
0x64: {  	_ =	shalt  }
0x65: {  	_ =	shalt  }
0x66: {  	_ =	shalt  }
0x67: {  	_ =	shalt  }
0x68: {  	_ =	shalt  }
0x69: {  	_ =	shalt  }
0x6a: {  	_ =	shalt  }
0x6b: {  	_ =	shalt  }
0x6c: {  	_ =	shalt  }
0x6d: {  	_ =	shalt  }
0x6e: {  	_ =	shalt  }
0x6f: {  	_ =	shalt  }
0x70: {  	_ =	shalt  }
0x71: {  	_ =	shalt  }
0x72: {  	_ =	shalt  }
0x73: {  	_ =	shalt  }
0x74: {  	_ =	shalt  }
0x75: {  	_ =	shalt  }
0x76: {  	_ =	shalt  }
0x77: {  	_ =	shalt  }
0x78: {  	_ =	shalt  }
0x79: {  	_ =	shalt  }
0x7a: {  	_ =	shalt  }
0x7b: {  	_ =	shalt  }
0x7c: {  	_ =	shalt  }
0x7d: {  	_ =	shalt  }
0x7e: {  	_ =	shalt  }
0x7f: {  	_ =	shalt  }
0x80: {  	_ =	shalt  }
0x81: {  	_ =	shalt  }
0x82: {  	_ =	shalt  }
0x83: {  	_ =	shalt  }
0x84: {  	_ =	shalt  }
0x85: {  	_ =	shalt  }
0x86: {  	_ =	shalt  }
0x87: {  	_ =	shalt  }
.Lfunc_end0:
.L_simem_size_0:
called_computation_lowered:
.L_overlay_start_0:
0x88: {  	s2 =	sld [smem:$0x3FD9]  }
0x89: {  	s3 =	sld [smem:$0x3FFE];
	_ =	sdelay $0x1  }
0x8a: {  	s1 =	srdreg.scid  }
0x8b: {  	s0 =	sand.u32 $0x1, s1  }
0x8c: {  	s17 =	sshll.u32 s0, $0xA;
	s2 =	sadd.s32 s3, s2  }
0x8d: {  	s2 =	sadd.s32 s2, s17  }
0x8e: {  	[smem:$0x3FC5] =	sst s2  }
0x8f: {  	_ = 	snop  }
0x90: {  	s2 =	sld [smem:$0x3FD0];
	(tm) =	ssettm $0x1  }
0x91: {  	s18 =	sld [smem:$0x3FFB];
	_ =	sdelay $0x3  }
0x92: {  	_ =	strace s18  }
0x93: {  	s3 =	sld [smem:$0x3FFC];
	_ =	sdelay $0x3  }
0x94: {  	_ =	strace s3  }
0x95: {  	s3 =	sld [smem:$0x3FFD];
	_ =	sdelay $0x3  }
0x96: {  	_ =	strace s3  }
0x97: {  	_ =	strace $0x8FFFFFFF  }
0x98: {  	s19 =	sld [smem:$0x3FDB];
	_ =	sdelay $0x1  }
0x99: {  	s4 =	simm.s32 $_scs_section_size  }
0x9a: {  	s5 =	simm.s32 $_size__tile_overlayer_lowered;
	s6 =	simm.s32 $_tile_overlayer_lowered  }
0x9b: {  	s22 =	simm.s32 $0x1BFF;
	s21 =	sshll.u32 s6, $0x1;
	s3 =	sadd.s32 s4, s19  }
0x9c: {  	s7 =	simm.s32 $0x0;
	s20 =	sshll.u32 s5, $0x1;
	s5 =	sadd.s32 s21, s3  }
0x9d: {  	[timem:s7], [sflag:s22] =	dma.local [hbm:s5], s20  }
0x9e: {  	_ =	swait.ge [sflag:s22], s20  }
0x9f: {  	s4 =	ssub.s32 $0x0, s20;
	[sflag:s22] =	ssyncset.done $0x0  }
0xa0: {  	[sflag:s22] =	ssyncadd.s32 s4;
	_ =	sdelay $0x1  }
0xa1: {  	s23 =	simm.s32 $0x1B8B  }
0xa2: {  	_ =	swait.ge [sflag:s23], $0x1  }
0xa3: {  	[sflag:s23] =	ssyncset.done $0x0  }
0xa4: {  	s25 =	simm.s32 $0x1B8E;
	s24 =	sld [smem:$0x3FFE];
	[sflag:s23] =	ssyncadd.s32 $0xFFFFFFFF  }
0xa5: {  	s26 =	simm.s32 $execute0_lowered;
	[smem:$0x3FD2] =	sst s25  }
0xa6: {  	s5 =	sshll.u32 s26, $0x1;
	_ =	strace $0x80000046;
	[dreg:$0x1] =	wrdreg $0xFFFFFFFF  }
0xa7: {  	s28 =	simm.s32 $_size_execute0_lowered;
	s3 =	sadd.s32 s3, s5;
	[dreg:$0x0] =	wrdreg $0x0  }
0xa8: {  	s5 =	sshll.u32 s28, $0x1;
	[dreg:$0x2] =	wrdreg s3  }
0xa9: {  	[dreg:$0x3] =	wrdreg s5  }
0xaa: {  	[dreg:$0x4] =	wrdreg $0xC0  }
0xab: {  	_ =	task [dreg:s7], $0x5FFFF  }
0xac: {  	[dreg:$0x1] =	wrdreg $0xFFFFFFFF  }
0xad: {  	[dreg:$0x0] =	wrdreg $0x60  }
0xae: {  	[dreg:$0x2] =	wrdreg s24  }
0xaf: {  	[dreg:$0x3] =	wrdreg s2  }
0xb0: {  	[dreg:$0x4] =	wrdreg $0x9  }
0xb1: {  	_ =	task.clear_ibuf [dreg:s7], $0x5FFFF;
	_ =	strace $0x90000046  }
0xb2: {  	s29 =	simm.s32 $0x9;
	_ =	strace $0x80000048  }
0xb3: {  	_ =	swait.ge [sflag:s29], $0x1  }
0xb4: {  	[sflag:s29] =	ssyncadd.s32 $0xFFFFFFFF  }
0xb5: {  	_ =	strace $0x90000048  }
0xb6: {  	_ =	sfence  }
0xb7: {  	s30 =	sld [smem:$0x0];
	_ =	sdelay $0x2  }
0xb8: {  	s31 =	sshll.u32 s1, $0xD;
	s1 =	sshrl.u32 s1, $0x2  }
0xb9: {  	s3 =	sand.u32 $0x4000, s31;
	s1 =	sadd.s32 s1, s30  }
0xba: {  	s0 =	sor.u32 s3, s0;
	s1 =	sshll.u32 s1, $0x11  }
0xbb: {  	s0 =	sor.u32 s1, s0  }
0xbc: {  	s0 =	sadd.s32 $0x8F2B, s0  }
0xbd: {  	[sflag:s0] =	ssyncadd.remote.s32 $0x1  }
0xbe: {  	_ =	sfence.sel $0xFFFF  }
0xbf: {  	[dreg:$0x0] =	wrdreg $0xFFFFFFFF;
	(pc) =	sbr.abs _section_cstart, $3  }
0xc0: {  	[dreg:$0x1] =	wrdreg $0xFFFFFFFF  }
0xc1: {  	_ =	task.clear_ibuf [dreg:s7], $0x2FFFF;
	_ =	strace $0x9FFFFFFF  }
0xc2: {  	(tm) =	ssettm $0x7FFFFFFF  }
0xc3: {  	_ =	shalt  }
tec
execute0_lowered:
.L_overlay_start_1:
0x0: {  	(tag) =	ssettag $0x1  }
0x1: {  	s4 =	rddreg [dreg:$0x0]  }
0x2: {  	s1 =	srdreg.scid;
	s0 =	stileid.u32  }
0x3: {  	s5 =	rddreg [dreg:$0x1];
	s2 =	simm.s32 $0x0;
	s9 =	simm.s32 $0xD00  }
0x4: {  	s10 =	simm.s32 $0x1;
	s11 =	simm.s32 $0x20;
	s12 =	simm.s32 $0x0  }
0x5: {  	s3 =	sand.u32 $0x1, s1;
	s6 =	sshll.u32 s0, $0x1;
	s1 =	rddreg [dreg:$0x2]  }
0x6: {  	[smem:$0x7FF] =	sst s2;
	s31 =	sand.u32 $0xC, s0;
	s6 =	sor.u32 s3, s6  }
0x7: {  	s8 =	ssub.s32 $0x2, s3;
	s7 =	smul.u32 $0x1A0, s6;
	s6 =	sand.u32 $0x7, s6  }
0x8: {  	_ =	strace $0x80000047;
	s30 =	sshrl.u32 s8, $0x1;
	s6 =	smul.u32 $0xD000, s6  }
0x9: {  	s3 =	sadd.s32 $0x11600, s4;
	s4 =	sadd.s32 s7, s4;
	s7 =	ssub.s32 s8, s30  }
0xa: {  	s8 =	simm.s32 $0x80;
	s6 =	sadd.s32 s6, s5;
	s4 =	sadd.s32 $0xE200, s4  }
0xb: {  	s5 =	smax.u32 s7, $0x1;
	s7 =	simm.s32 $0x2;
	s6 =	sadd.s32 s31, s6  }
.LBB2_1:
0xc: {  	[tilespmem:s2], [sflag:$0x2] =	stream.linear.gather [hbm4b:s4+s2], $0xD00, $0x38;
	[tilespmem:$0x1D00] =	vst v63  }
0xd: {  	_ =	swait.ge [sflag:s7], $0xD00  }
0xe: {  	[sflag:s7] =	ssyncset.done $0x0  }
0xf: {  	s13 =	simm.s32 $0x0;
	[sflag:s7] =	ssyncadd.s32 $0xFFFFF300  }
0x10: {  	[tilespmem:s9], [sflag:$0x1] =	stream.indirect.gather [hbm4b:s3+s8], $0x20, s13, s8, $0xb8;
	[tilespmem:$0x1D00] =	vst v63  }
0x11: {  	_ =	swait.ge [sflag:s10], $0x1000  }
0x12: {  	[sflag:s10] =	ssyncset.done $0x0  }
0x13: {  	[sflag:s10] =	ssyncadd.s32 $0xFFFFF000  }
0x14: {  	[hbm4b:s6+s11] =	stream.strided.scatter [tilespmem:s9], [sflag:$0x2], $0x1000, s8, s11, $0x38;
	[tilespmem:$0x1D00] =	vst v63  }
0x15: {  	s14 =	simm.s32 $0x200;
	_ =	swait.ge [sflag:s7], $0x1000  }
0x16: {  	s15 =	simm.s32 $0x400;
	s13 =	sadd.s32 $0x800, s6;
	[sflag:s7] =	ssyncset.done $0x0  }
.LBB2_2:
0x17: {  	s16 =	sshra.s32 s14, $0x2  }
0x18: {  	[sflag:s7] =	ssyncadd.s32 $0xFFFFF000;
	s14 =	smov.u32 s15;
	s17 =	sadd.s32 $0x200, s15  }
0x19: {  	[tilespmem:s9], [sflag:$0x1] =	stream.indirect.gather [hbm4b:s3+s8], $0x20, s16, s8, $0xb8;
	[tilespmem:$0x1D00] =	vst v63  }
0x1a: {  	p0 =	sne.s32 s15, $0x3200;
	_ =	swait.ge [sflag:s10], $0x1000  }
.Ltmp0:
0x1b: {  	[sflag:s10] =	ssyncset.done $0x0;
	(pc) =	sbr.rel @p0 .LBB2_2-.Ltmp0, $4  }
0x1c: {  	[sflag:s10] =	ssyncadd.s32 $0xFFFFF000  }
0x1d: {  	[hbm4b:s13+s11] =	stream.strided.scatter [tilespmem:s9], [sflag:$0x2], $0x1000, s8, s11, $0x38;
	[tilespmem:$0x1D00] =	vst v63  }
0x1e: {  	_ =	swait.ge [sflag:s7], $0x1000  }
0x1f: {  	s15 =	smov.u32 s17;
	s13 =	sadd.s32 $0x800, s13;
	[sflag:s7] =	ssyncset.done $0x0  }
0x20: {  	s14 =	sshra.s32 s14, $0x2;
	[sflag:s7] =	ssyncadd.s32 $0xFFFFF000  }
0x21: {  	[tilespmem:s9], [sflag:$0x1] =	stream.indirect.gather [hbm4b:s3+s8], $0x20, s14, s8, $0xb8;
	[tilespmem:$0x1D00] =	vst v63  }
0x22: {  	s12 =	sadd.s32 $0x1, s12;
	_ =	swait.ge [sflag:s10], $0x1000  }
0x23: {  	p0 =	sne.s32 s12, s5;
	[sflag:s10] =	ssyncset.done $0x0  }
.Ltmp1:
0x24: {  	[sflag:s10] =	ssyncadd.s32 $0xFFFFF000;
	(pc) =	sbr.rel @p0 .LBB2_1-.Ltmp1, $4  }
0x25: {  	[hbm4b:s13+s11] =	stream.strided.scatter [tilespmem:s9], [sflag:$0x2], $0x1000, s8, s11, $0x38;
	[tilespmem:$0x1D00] =	vst v63  }
0x26: {  	_ =	swait.ge [sflag:s7], $0x1000  }
0x27: {  	[sflag:s7] =	ssyncset.done $0x0  }
0x28: {  	[sflag:s7] =	ssyncadd.s32 $0xFFFFF000  }
0x29: {  	_ =	sfence.sel $0x180000  }
0x2a: {  	[bflag:$0x0] =	sbarrier.arrive $0xFFFF  }
0x2b: {  	p0 =	sne.s32 s0, $0x0;
	_ =	strace $0x90000047  }
0x2c: {  	s0 =	sadd.s32 @!p0 $0x100000, s1;
	[bflag:$0x2] =	sbarrier.arrive $0xFFFF  }
0x2d: {  	[sflag:s0] =	ssyncadd.tile.s32 @!p0 $0x1;
	_ =	shalt  }
.Lfunc_end2:
_tile_overlayer_lowered:
.L_overlay_start_2:
0x2e: {  	(tag) =	ssettag $0x2  }
0x2f: {  	s0 =	rddreg [dreg:$0x0];
	s2 =	stileid.u32  }
0x30: {  	s1 =	rddreg [dreg:$0x1];
	p0 =	sne.s32 s2, $0x0  }
0x31: {  	s3 =	rddreg [dreg:$0x2];
	[bflag:$0x3] =	sbarrier.arrive $0xFFFF;
	s2 =	simm.s32 @!p0 $0x1C02  }
0x32: {  	[timem:s3], [sflag:s2] =	dma.local @!p0 [hbm:s0], s1  }
0x33: {  	s0 =	simm.s32 @!p0 $0x2  }
0x34: {  	_ =	swait.ge @!p0 [sflag:s0], s1  }
0x35: {  	s1 =	ssub.s32 @!p0 $0x0, s1;
	[sflag:s0] =	ssyncset.done @!p0 $0x0  }
0x36: {  	[sflag:s0] =	ssyncadd.s32 @!p0 s1  }
0x37: {  	[bflag:$0x3] =	sbarrier.arrive $0xFFFF  }
0x38: {  	_ =	shalt  }

// kernel: kernel.14.cloned.1.call-start
scs
__scs_entry_jumppad:
0x0: {  	(pc) =	sbr.rel $0x88, $3  }
0x1: {  	(tag) =	ssettag $0x0;
	lr =	simm.s32 $0x1  }
0x2: {  	[smem:$0x3F9E] =	sst lr;
	_ =	strace $0xD0000000  }
0x3: {  	_ = 	snop  }
0x4: {  	_ = 	snop  }
0x5: {  	_ = 	snop  }
0x6: {  	_ = 	snop  }
0x7: {  	_ = 	snop  }
__scs_overlays_trampoline_lowered:
0x8: {  	[smem:$0x3FAD] =	sst s0  }
0x9: {  	[smem:$0x3FAE] =	sst s1  }
0xa: {  	[smem:$0x3FAF] =	sst s2  }
0xb: {  	[smem:$0x3FB0] =	sst s3  }
0xc: {  	[smem:$0x3FB1] =	sst s4  }
0xd: {  	[smem:$0x3FB2] =	sst s5  }
0xe: {  	[smem:$0x3FB3] =	sst s6  }
0xf: {  	[smem:$0x3FB4] =	sst s7  }
0x10: {  	[smem:$0x3FB5] =	sst s8  }
0x11: {  	[smem:$0x3FB6] =	sst s9;
	s0 =	simm.s32 @!p0 $0x0  }
0x12: {  	s1 =	sld [smem:$0x3F9C];
	s0 =	simm.s32 @p0 $0x1  }
0x13: {  	[smem:$0x3FB7] =	sst s0;
	s0 =	simm.s32 @!p1 $0x0  }
0x14: {  	s2 =	sld [smem:$0x3F9B];
	s0 =	simm.s32 @p1 $0x1  }
0x15: {  	[smem:$0x3FB8] =	sst s0;
	s0 =	simm.s32 @!p2 $0x0  }
0x16: {  	s3 =	sld [smem:$0x3FDB];
	s0 =	simm.s32 @p2 $0x1  }
0x17: {  	s4 =	simm.s32 $0x1BF5;
	[smem:$0x3FBA] =	sst s0  }
0x18: {  	s0 =	sld [smem:$0x3F9D];
	_ =	swait.ge [sflag:s4], $0x0  }
0x19: {  	s7 =	sld [smem:$0x3F9E]  }
0x1a: {  	s8 =	sadd.s32 $0xFFFFE003, lr  }
0x1b: {  	s9 =	sadd.s32 $0xFFFFFEF7, lr;
	s5 =	simm.s32 $0xFFFFFFFF;
	p2 =	slt.u32 s8, $0xFFFFF086  }
0x1c: {  	p1 =	slt.u32 s9, $0xF7A;
	s5 =	simm.s32 @!p2 $0x0  }
0x1d: {  	s5 =	simm.s32 @p1 $0x1;
	p0 =	seq.s32 s7, s2  }
0x1e: {  	s7 =	smul.u32 @!p0 $0xF7A, s2;
	p2 =	seq.s32 @!p0 s5, $0x0  }
0x1f: {  	s9 =	smul.u32 $0xF7A, s1;
	s8 =	simm.s32 @!p0 $0x1BF5;
	p2 =	por !p2, p0  }
0x20: {  	[sflag:s8] =	ssyncset.s32 @!p0 $0xFFFFF086;
	s6 =	sadd.s32 @!p0 s3, s7;
	s7 =	simm.s32 @!p0 $0x108  }
0x21: {  	s3 =	sadd.s32 s3, s9;
	s6 =	sadd.s32 @!p0 $0x88, s6;
	s7 =	simm.s32 @p2 $0x1082  }
0x22: {  	[simem:s7], [sflag:s8] =	dma.local @!p0 [hbm:s6], $0xF7A  }
0x23: {  	s9 =	sor.u32 $0xD0000000, s2;
	s6 =	simm.s32 $0x108;
	_ =	swait.ge @!p0 [sflag:s8], $0x0  }
0x24: {  	s3 =	sadd.s32 $0x88, s3;
	s6 =	simm.s32 @!p1 $0x1082;
	[sflag:s4] =	ssyncset.s32 $0xFFFFF086  }
0x25: {  	[simem:s6], [sflag:s4] =	dma.local [hbm:s3], $0xF7A  }
0x26: {  	[smem:$0x3F9E] =	sst s1;
	(tag) =	ssettag s2;
	_ =	strace s9  }
0x27: {  	s1 =	sld [smem:$0x3FAE]  }
0x28: {  	s2 =	sld [smem:$0x3FAF]  }
0x29: {  	s4 =	sld [smem:$0x3FB1]  }
0x2a: {  	p0 =	seq.s32 s5, $0x0;
	s5 =	sld [smem:$0x3FB2]  }
0x2b: {  	s6 =	sld [smem:$0x3FB3]  }
0x2c: {  	s7 =	sld [smem:$0x3FB4]  }
0x2d: {  	s3 =	simm.s32 $0x108;
	s8 =	sld [smem:$0x3FB5]  }
0x2e: {  	s3 =	simm.s32 @!p0 $0x1082;
	s9 =	sld [smem:$0x3FB6]  }
0x2f: {  	lr =	sadd.s32 s0, s3;
	s0 =	sld [smem:$0x3FAD]  }
0x30: {  	s3 =	sld [smem:$0x3FB0]  }
0x31: {  	[smem:$0x3FB9] =	sst s10  }
0x32: {  	s10 =	sld [smem:$0x3FB7];
	_ =	sdelay $0x3  }
0x33: {  	p0 =	seq.s32 s10, $0x1;
	s10 =	sld [smem:$0x3FB9];
	_ =	sdelay $0x3  }
0x34: {  	[smem:$0x3FB9] =	sst s10  }
0x35: {  	s10 =	sld [smem:$0x3FB8];
	_ =	sdelay $0x3  }
0x36: {  	p1 =	seq.s32 s10, $0x1;
	s10 =	sld [smem:$0x3FB9];
	_ =	sdelay $0x3  }
0x37: {  	[smem:$0x3FB9] =	sst s10  }
0x38: {  	s10 =	sld [smem:$0x3FBA]  }
0x39: {  	_ = 	snop;
	(pc) =	sbr.ind lr, $3  }
0x3a: {  	_ = 	snop  }
0x3b: {  	_ = 	snop  }
0x3c: {  	p2 =	seq.s32 s10, $0x1;
	s10 =	sld [smem:$0x3FB9]  }
0x3d: {  	_ =	shalt  }
0x3e: {  	_ =	shalt  }
0x3f: {  	_ =	shalt  }
0x40: {  	_ =	shalt  }
0x41: {  	_ =	shalt  }
0x42: {  	_ =	shalt  }
0x43: {  	_ =	shalt  }
0x44: {  	_ =	shalt  }
0x45: {  	_ =	shalt  }
0x46: {  	_ =	shalt  }
0x47: {  	_ =	shalt  }
0x48: {  	_ =	shalt  }
0x49: {  	_ =	shalt  }
0x4a: {  	_ =	shalt  }
0x4b: {  	_ =	shalt  }
0x4c: {  	_ =	shalt  }
0x4d: {  	_ =	shalt  }
0x4e: {  	_ =	shalt  }
0x4f: {  	_ =	shalt  }
0x50: {  	_ =	shalt  }
0x51: {  	_ =	shalt  }
0x52: {  	_ =	shalt  }
0x53: {  	_ =	shalt  }
0x54: {  	_ =	shalt  }
0x55: {  	_ =	shalt  }
0x56: {  	_ =	shalt  }
0x57: {  	_ =	shalt  }
0x58: {  	_ =	shalt  }
0x59: {  	_ =	shalt  }
0x5a: {  	_ =	shalt  }
0x5b: {  	_ =	shalt  }
0x5c: {  	_ =	shalt  }
0x5d: {  	_ =	shalt  }
0x5e: {  	_ =	shalt  }
0x5f: {  	_ =	shalt  }
0x60: {  	_ =	shalt  }
0x61: {  	_ =	shalt  }
0x62: {  	_ =	shalt  }
0x63: {  	_ =	shalt  }
0x64: {  	_ =	shalt  }
0x65: {  	_ =	shalt  }
0x66: {  	_ =	shalt  }
0x67: {  	_ =	shalt  }
0x68: {  	_ =	shalt  }
0x69: {  	_ =	shalt  }
0x6a: {  	_ =	shalt  }
0x6b: {  	_ =	shalt  }
0x6c: {  	_ =	shalt  }
0x6d: {  	_ =	shalt  }
0x6e: {  	_ =	shalt  }
0x6f: {  	_ =	shalt  }
0x70: {  	_ =	shalt  }
0x71: {  	_ =	shalt  }
0x72: {  	_ =	shalt  }
0x73: {  	_ =	shalt  }
0x74: {  	_ =	shalt  }
0x75: {  	_ =	shalt  }
0x76: {  	_ =	shalt  }
0x77: {  	_ =	shalt  }
0x78: {  	_ =	shalt  }
0x79: {  	_ =	shalt  }
0x7a: {  	_ =	shalt  }
0x7b: {  	_ =	shalt  }
0x7c: {  	_ =	shalt  }
0x7d: {  	_ =	shalt  }
0x7e: {  	_ =	shalt  }
0x7f: {  	_ =	shalt  }
0x80: {  	_ =	shalt  }
0x81: {  	_ =	shalt  }
0x82: {  	_ =	shalt  }
0x83: {  	_ =	shalt  }
0x84: {  	_ =	shalt  }
0x85: {  	_ =	shalt  }
0x86: {  	_ =	shalt  }
0x87: {  	_ =	shalt  }
.Lfunc_end0:
.L_simem_size_0:
called_computation.1_lowered:
.L_overlay_start_0:
0x88: {  	s2 =	sld [smem:$0x3FD9]  }
0x89: {  	s3 =	sld [smem:$0x3FFE];
	_ =	sdelay $0x1  }
0x8a: {  	s1 =	srdreg.scid  }
0x8b: {  	s0 =	sand.u32 $0x1, s1  }
0x8c: {  	s17 =	sshll.u32 s0, $0xA;
	s2 =	sadd.s32 s3, s2  }
0x8d: {  	s2 =	sadd.s32 s2, s17  }
0x8e: {  	[smem:$0x3FC5] =	sst s2  }
0x8f: {  	_ = 	snop  }
0x90: {  	(tm) =	ssettm $0x1  }
0x91: {  	s18 =	sld [smem:$0x3FFB];
	_ =	sdelay $0x3  }
0x92: {  	_ =	strace s18  }
0x93: {  	s2 =	sld [smem:$0x3FFC];
	_ =	sdelay $0x3  }
0x94: {  	_ =	strace s2  }
0x95: {  	s2 =	sld [smem:$0x3FFD];
	_ =	sdelay $0x3  }
0x96: {  	_ =	strace s2  }
0x97: {  	_ =	strace $0x8FFFFFFF  }
0x98: {  	s19 =	sld [smem:$0x3FDB];
	_ =	sdelay $0x1  }
0x99: {  	s20 =	simm.s32 $_scs_section_size  }
0x9a: {  	s4 =	simm.s32 $_size__tile_overlayer_lowered;
	s5 =	simm.s32 $_tile_overlayer_lowered  }
0x9b: {  	s6 =	simm.s32 $0x1BFF;
	s21 =	sshll.u32 s5, $0x1;
	s3 =	sadd.s32 s20, s19  }
0x9c: {  	s22 =	simm.s32 $0x0;
	s4 =	sshll.u32 s4, $0x1;
	s5 =	sadd.s32 s21, s3  }
0x9d: {  	[timem:s22], [sflag:s6] =	dma.local [hbm:s5], s4  }
0x9e: {  	_ =	swait.ge [sflag:s6], s4  }
0x9f: {  	s4 =	ssub.s32 $0x0, s4;
	[sflag:s6] =	ssyncset.done $0x0  }
0xa0: {  	[sflag:s6] =	ssyncadd.s32 s4;
	_ =	sdelay $0x1  }
0xa1: {  	s23 =	simm.s32 $0x1B8B  }
0xa2: {  	_ =	swait.ge [sflag:s23], $0x1  }
0xa3: {  	[sflag:s23] =	ssyncset.done $0x0  }
0xa4: {  	[sflag:s23] =	ssyncadd.s32 $0xFFFFFFFF  }
0xa5: {  	s4 =	sld [smem:$0x0]  }
0xa6: {  	s5 =	sand.u32 $0xFFFFFFFE, s1  }
0xa7: {  	p0 =	sne.s32 s1, s5  }
0xa8: {  	s5 =	sshll.u32 @p0 s5, $0xE  }
0xa9: {  	s5 =	sadd.s32 @p0 $0x11B8D, s5;
	s6 =	sshll.u32 @p0 s4, $0x11  }
0xaa: {  	s5 =	sor.u32 @p0 s6, s5  }
0xab: {  	[sflag:s5] =	ssyncadd.remote.s32 @p0 $0x1;
	_ =	sdelay $0x1  }
0xac: {  	s5 =	simm.s32 @p0 $0x1B8D  }
0xad: {  	_ =	swait.eq @p0 [sflag:s5], $0x1  }
0xae: {  	[sflag:s5] =	ssyncadd.s32 @p0 $0xFFFFFFFF  }
0xaf: {  	s6 =	sshll.u32 @!p0 s1, $0xE  }
0xb0: {  	s6 =	sor.u32 @!p0 $0x4000, s6;
	s5 =	simm.s32 @!p0 $0x1B8D  }
0xb1: {  	s4 =	sshll.u32 @!p0 s4, $0x11;
	s6 =	sadd.s32 @!p0 $0x11B8D, s6;
	_ =	swait.eq @!p0 [sflag:s5], $0x1  }
0xb2: {  	s4 =	sor.u32 @!p0 s4, s6;
	[sflag:s5] =	ssyncadd.s32 @!p0 $0xFFFFFFFF  }
0xb3: {  	s25 =	simm.s32 $0x1B8E;
	s24 =	sld [smem:$0x3FFE];
	[sflag:s4] =	ssyncadd.remote.s32 @!p0 $0x1  }
0xb4: {  	s26 =	simm.s32 $execute0_lowered;
	[smem:$0x3FD2] =	sst s25  }
0xb5: {  	s5 =	sshll.u32 s26, $0x1;
	_ =	strace $0x80000049;
	[dreg:$0x1] =	wrdreg $0xFFFFFFFF  }
0xb6: {  	s28 =	simm.s32 $_size_execute0_lowered;
	s3 =	sadd.s32 s3, s5;
	[dreg:$0x0] =	wrdreg $0x0  }
0xb7: {  	s5 =	sshll.u32 s28, $0x1;
	[dreg:$0x2] =	wrdreg s3  }
0xb8: {  	[dreg:$0x3] =	wrdreg s5  }
0xb9: {  	[dreg:$0x4] =	wrdreg $0xC0  }
0xba: {  	_ =	task [dreg:s22], $0x5FFFF  }
0xbb: {  	[dreg:$0x1] =	wrdreg $0xFFFFFFFF  }
0xbc: {  	[dreg:$0x0] =	wrdreg $0x60  }
0xbd: {  	[dreg:$0x2] =	wrdreg s24  }
0xbe: {  	[dreg:$0x3] =	wrdreg $0xA  }
0xbf: {  	_ =	task.clear_ibuf [dreg:s22], $0x4FFFF;
	_ =	strace $0x90000049  }
0xc0: {  	s29 =	simm.s32 $0xA;
	_ =	strace $0x8000004B  }
0xc1: {  	_ =	swait.ge [sflag:s29], $0x1  }
0xc2: {  	[sflag:s29] =	ssyncadd.s32 $0xFFFFFFFF  }
0xc3: {  	_ =	strace $0x9000004B  }
0xc4: {  	_ =	sfence  }
0xc5: {  	s30 =	sld [smem:$0x0];
	_ =	sdelay $0x2  }
0xc6: {  	s31 =	sshll.u32 s1, $0xD;
	s1 =	sshrl.u32 s1, $0x2  }
0xc7: {  	s4 =	sand.u32 $0x4000, s31;
	s1 =	sadd.s32 s1, s30  }
0xc8: {  	s0 =	sor.u32 s4, s0;
	s1 =	sshll.u32 s1, $0x11  }
0xc9: {  	s0 =	sor.u32 s1, s0  }
0xca: {  	s0 =	sadd.s32 $0x8F2B, s0  }
0xcb: {  	[sflag:s0] =	ssyncadd.remote.s32 $0x1  }
0xcc: {  	_ =	sfence.sel $0xFFFF  }
0xcd: {  	[dreg:$0x0] =	wrdreg $0xFFFFFFFF;
	(pc) =	sbr.abs _section_cstart, $3  }
0xce: {  	[dreg:$0x1] =	wrdreg $0xFFFFFFFF  }
0xcf: {  	_ =	task.clear_ibuf [dreg:s22], $0x2FFFF;
	_ =	strace $0x9FFFFFFF  }
0xd0: {  	(tm) =	ssettm $0x7FFFFFFF  }
0xd1: {  	_ =	shalt  }
tec
execute0_lowered:
.L_overlay_start_1:
0x0: {  	(tag) =	ssettag $0x1  }
0x1: {  	s1 =	srdreg.scid  }
0x2: {  	s0 =	stileid.u32;
	s4 =	rddreg [dreg:$0x0]  }
0x3: {  	s2 =	simm.s32 $0x0;
	s10 =	simm.s32 $0x1;
	s11 =	simm.s32 $0x20  }
0x4: {  	s5 =	sand.u32 $0x1, s1;
	s3 =	sshll.u32 s0, $0x1;
	s1 =	rddreg [dreg:$0x1]  }
0x5: {  	s12 =	simm.s32 $0x0;
	[smem:$0x7FF] =	sst s2;
	s6 =	sor.u32 s5, s3  }
0x6: {  	s5 =	ssub.s32 $0x2, s5;
	s3 =	sand.u32 $0x7, s6;
	s6 =	smul.u32 $0x1A0, s6  }
0x7: {  	s9 =	sand.u32 $0xC, s0;
	s8 =	sshrl.u32 s5, $0x1;
	s7 =	smul.u32 $0xD000, s3  }
0x8: {  	_ =	strace $0x8000004A;
	s3 =	sadd.s32 $0x11600, s4;
	s5 =	ssub.s32 s5, s8  }
0x9: {  	s8 =	simm.s32 $0x80;
	s7 =	sadd.s32 s7, s4;
	s4 =	sadd.s32 s6, s4  }
0xa: {  	s5 =	smax.u32 s5, $0x1;
	s31 =	sadd.s32 s9, s7;
	s4 =	sadd.s32 $0x2200, s4  }
0xb: {  	s7 =	simm.s32 $0x2;
	s9 =	simm.s32 $0xD00;
	s6 =	sadd.s32 $0x3E9600, s31  }
.LBB2_1:
0xc: {  	[tilespmem:s2], [sflag:$0x2] =	stream.linear.gather [hbm4b:s4+s2], $0xD00, $0x38;
	[tilespmem:$0x1D00] =	vst v63  }
0xd: {  	_ =	swait.ge [sflag:s7], $0xD00  }
0xe: {  	[sflag:s7] =	ssyncset.done $0x0  }
0xf: {  	s13 =	simm.s32 $0x0;
	[sflag:s7] =	ssyncadd.s32 $0xFFFFF300  }
0x10: {  	[tilespmem:s9], [sflag:$0x1] =	stream.indirect.gather [hbm4b:s3+s8], $0x20, s13, s8, $0xb8;
	[tilespmem:$0x1D00] =	vst v63  }
0x11: {  	_ =	swait.ge [sflag:s10], $0x1000  }
0x12: {  	[sflag:s10] =	ssyncset.done $0x0  }
0x13: {  	[sflag:s10] =	ssyncadd.s32 $0xFFFFF000  }
0x14: {  	[hbm4b:s6+s11] =	stream.strided.scatter [tilespmem:s9], [sflag:$0x2], $0x1000, s8, s11, $0x38;
	[tilespmem:$0x1D00] =	vst v63  }
0x15: {  	s14 =	simm.s32 $0x200;
	_ =	swait.ge [sflag:s7], $0x1000  }
0x16: {  	s15 =	simm.s32 $0x400;
	s13 =	sadd.s32 $0x800, s6;
	[sflag:s7] =	ssyncset.done $0x0  }
.LBB2_2:
0x17: {  	s16 =	sshra.s32 s14, $0x2  }
0x18: {  	[sflag:s7] =	ssyncadd.s32 $0xFFFFF000;
	s14 =	smov.u32 s15;
	s17 =	sadd.s32 $0x200, s15  }
0x19: {  	[tilespmem:s9], [sflag:$0x1] =	stream.indirect.gather [hbm4b:s3+s8], $0x20, s16, s8, $0xb8;
	[tilespmem:$0x1D00] =	vst v63  }
0x1a: {  	p0 =	sne.s32 s15, $0x3200;
	_ =	swait.ge [sflag:s10], $0x1000  }
.Ltmp0:
0x1b: {  	[sflag:s10] =	ssyncset.done $0x0;
	(pc) =	sbr.rel @p0 .LBB2_2-.Ltmp0, $4  }
0x1c: {  	[sflag:s10] =	ssyncadd.s32 $0xFFFFF000  }
0x1d: {  	[hbm4b:s13+s11] =	stream.strided.scatter [tilespmem:s9], [sflag:$0x2], $0x1000, s8, s11, $0x38;
	[tilespmem:$0x1D00] =	vst v63  }
0x1e: {  	_ =	swait.ge [sflag:s7], $0x1000  }
0x1f: {  	s15 =	smov.u32 s17;
	s13 =	sadd.s32 $0x800, s13;
	[sflag:s7] =	ssyncset.done $0x0  }
0x20: {  	s14 =	sshra.s32 s14, $0x2;
	[sflag:s7] =	ssyncadd.s32 $0xFFFFF000  }
0x21: {  	[tilespmem:s9], [sflag:$0x1] =	stream.indirect.gather [hbm4b:s3+s8], $0x20, s14, s8, $0xb8;
	[tilespmem:$0x1D00] =	vst v63  }
0x22: {  	s12 =	sadd.s32 $0x1, s12;
	_ =	swait.ge [sflag:s10], $0x1000  }
0x23: {  	p0 =	sne.s32 s12, s5;
	[sflag:s10] =	ssyncset.done $0x0  }
.Ltmp1:
0x24: {  	[sflag:s10] =	ssyncadd.s32 $0xFFFFF000;
	(pc) =	sbr.rel @p0 .LBB2_1-.Ltmp1, $4  }
0x25: {  	[hbm4b:s13+s11] =	stream.strided.scatter [tilespmem:s9], [sflag:$0x2], $0x1000, s8, s11, $0x38;
	[tilespmem:$0x1D00] =	vst v63  }
0x26: {  	_ =	swait.ge [sflag:s7], $0x1000  }
0x27: {  	[sflag:s7] =	ssyncset.done $0x0  }
0x28: {  	[sflag:s7] =	ssyncadd.s32 $0xFFFFF000  }
0x29: {  	_ =	sfence.sel $0x180000  }
0x2a: {  	[bflag:$0x0] =	sbarrier.arrive $0xFFFF  }
0x2b: {  	p0 =	sne.s32 s0, $0x0;
	_ =	strace $0x9000004A  }
0x2c: {  	s0 =	sadd.s32 @!p0 $0x100000, s1;
	[bflag:$0x2] =	sbarrier.arrive $0xFFFF  }
0x2d: {  	[sflag:s0] =	ssyncadd.tile.s32 @!p0 $0x1;
	_ =	shalt  }
.Lfunc_end2:
_tile_overlayer_lowered:
.L_overlay_start_2:
0x2e: {  	(tag) =	ssettag $0x2  }
0x2f: {  	s0 =	rddreg [dreg:$0x0];
	s2 =	stileid.u32  }
0x30: {  	s1 =	rddreg [dreg:$0x1];
	p0 =	sne.s32 s2, $0x0  }
0x31: {  	s3 =	rddreg [dreg:$0x2];
	[bflag:$0x3] =	sbarrier.arrive $0xFFFF;
	s2 =	simm.s32 @!p0 $0x1C02  }
0x32: {  	[timem:s3], [sflag:s2] =	dma.local @!p0 [hbm:s0], s1  }
0x33: {  	s0 =	simm.s32 @!p0 $0x2  }
0x34: {  	_ =	swait.ge @!p0 [sflag:s0], s1  }
0x35: {  	s1 =	ssub.s32 @!p0 $0x0, s1;
	[sflag:s0] =	ssyncset.done @!p0 $0x0  }
0x36: {  	[sflag:s0] =	ssyncadd.s32 @!p0 s1  }
0x37: {  	[bflag:$0x3] =	sbarrier.arrive $0xFFFF  }
0x38: {  	_ =	shalt  }

// kernel: kernel.17.cloned.1.call-start
scs
__scs_entry_jumppad:
0x0: {  	(pc) =	sbr.rel $0x88, $3  }
0x1: {  	(tag) =	ssettag $0x0;
	lr =	simm.s32 $0x1  }
0x2: {  	[smem:$0x3F9E] =	sst lr;
	_ =	strace $0xD0000000  }
0x3: {  	_ = 	snop  }
0x4: {  	_ = 	snop  }
0x5: {  	_ = 	snop  }
0x6: {  	_ = 	snop  }
0x7: {  	_ = 	snop  }
__scs_overlays_trampoline_lowered:
0x8: {  	[smem:$0x3FAD] =	sst s0  }
0x9: {  	[smem:$0x3FAE] =	sst s1  }
0xa: {  	[smem:$0x3FAF] =	sst s2  }
0xb: {  	[smem:$0x3FB0] =	sst s3  }
0xc: {  	[smem:$0x3FB1] =	sst s4  }
0xd: {  	[smem:$0x3FB2] =	sst s5  }
0xe: {  	[smem:$0x3FB3] =	sst s6  }
0xf: {  	[smem:$0x3FB4] =	sst s7  }
0x10: {  	[smem:$0x3FB5] =	sst s8  }
0x11: {  	[smem:$0x3FB6] =	sst s9;
	s0 =	simm.s32 @!p0 $0x0  }
0x12: {  	s1 =	sld [smem:$0x3F9C];
	s0 =	simm.s32 @p0 $0x1  }
0x13: {  	[smem:$0x3FB7] =	sst s0;
	s0 =	simm.s32 @!p1 $0x0  }
0x14: {  	s2 =	sld [smem:$0x3F9B];
	s0 =	simm.s32 @p1 $0x1  }
0x15: {  	[smem:$0x3FB8] =	sst s0;
	s0 =	simm.s32 @!p2 $0x0  }
0x16: {  	s3 =	sld [smem:$0x3FDB];
	s0 =	simm.s32 @p2 $0x1  }
0x17: {  	s4 =	simm.s32 $0x1BF5;
	[smem:$0x3FBA] =	sst s0  }
0x18: {  	s0 =	sld [smem:$0x3F9D];
	_ =	swait.ge [sflag:s4], $0x0  }
0x19: {  	s7 =	sld [smem:$0x3F9E]  }
0x1a: {  	s8 =	sadd.s32 $0xFFFFE003, lr  }
0x1b: {  	s9 =	sadd.s32 $0xFFFFFEF7, lr;
	s5 =	simm.s32 $0xFFFFFFFF;
	p2 =	slt.u32 s8, $0xFFFFF086  }
0x1c: {  	p1 =	slt.u32 s9, $0xF7A;
	s5 =	simm.s32 @!p2 $0x0  }
0x1d: {  	s5 =	simm.s32 @p1 $0x1;
	p0 =	seq.s32 s7, s2  }
0x1e: {  	s7 =	smul.u32 @!p0 $0xF7A, s2;
	p2 =	seq.s32 @!p0 s5, $0x0  }
0x1f: {  	s9 =	smul.u32 $0xF7A, s1;
	s8 =	simm.s32 @!p0 $0x1BF5;
	p2 =	por !p2, p0  }
0x20: {  	[sflag:s8] =	ssyncset.s32 @!p0 $0xFFFFF086;
	s6 =	sadd.s32 @!p0 s3, s7;
	s7 =	simm.s32 @!p0 $0x108  }
0x21: {  	s3 =	sadd.s32 s3, s9;
	s6 =	sadd.s32 @!p0 $0x88, s6;
	s7 =	simm.s32 @p2 $0x1082  }
0x22: {  	[simem:s7], [sflag:s8] =	dma.local @!p0 [hbm:s6], $0xF7A  }
0x23: {  	s9 =	sor.u32 $0xD0000000, s2;
	s6 =	simm.s32 $0x108;
	_ =	swait.ge @!p0 [sflag:s8], $0x0  }
0x24: {  	s3 =	sadd.s32 $0x88, s3;
	s6 =	simm.s32 @!p1 $0x1082;
	[sflag:s4] =	ssyncset.s32 $0xFFFFF086  }
0x25: {  	[simem:s6], [sflag:s4] =	dma.local [hbm:s3], $0xF7A  }
0x26: {  	[smem:$0x3F9E] =	sst s1;
	(tag) =	ssettag s2;
	_ =	strace s9  }
0x27: {  	s1 =	sld [smem:$0x3FAE]  }
0x28: {  	s2 =	sld [smem:$0x3FAF]  }
0x29: {  	s4 =	sld [smem:$0x3FB1]  }
0x2a: {  	p0 =	seq.s32 s5, $0x0;
	s5 =	sld [smem:$0x3FB2]  }
0x2b: {  	s6 =	sld [smem:$0x3FB3]  }
0x2c: {  	s7 =	sld [smem:$0x3FB4]  }
0x2d: {  	s3 =	simm.s32 $0x108;
	s8 =	sld [smem:$0x3FB5]  }
0x2e: {  	s3 =	simm.s32 @!p0 $0x1082;
	s9 =	sld [smem:$0x3FB6]  }
0x2f: {  	lr =	sadd.s32 s0, s3;
	s0 =	sld [smem:$0x3FAD]  }
0x30: {  	s3 =	sld [smem:$0x3FB0]  }
0x31: {  	[smem:$0x3FB9] =	sst s10  }
0x32: {  	s10 =	sld [smem:$0x3FB7];
	_ =	sdelay $0x3  }
0x33: {  	p0 =	seq.s32 s10, $0x1;
	s10 =	sld [smem:$0x3FB9];
	_ =	sdelay $0x3  }
0x34: {  	[smem:$0x3FB9] =	sst s10  }
0x35: {  	s10 =	sld [smem:$0x3FB8];
	_ =	sdelay $0x3  }
0x36: {  	p1 =	seq.s32 s10, $0x1;
	s10 =	sld [smem:$0x3FB9];
	_ =	sdelay $0x3  }
0x37: {  	[smem:$0x3FB9] =	sst s10  }
0x38: {  	s10 =	sld [smem:$0x3FBA]  }
0x39: {  	_ = 	snop;
	(pc) =	sbr.ind lr, $3  }
0x3a: {  	_ = 	snop  }
0x3b: {  	_ = 	snop  }
0x3c: {  	p2 =	seq.s32 s10, $0x1;
	s10 =	sld [smem:$0x3FB9]  }
0x3d: {  	_ =	shalt  }
0x3e: {  	_ =	shalt  }
0x3f: {  	_ =	shalt  }
0x40: {  	_ =	shalt  }
0x41: {  	_ =	shalt  }
0x42: {  	_ =	shalt  }
0x43: {  	_ =	shalt  }
0x44: {  	_ =	shalt  }
0x45: {  	_ =	shalt  }
0x46: {  	_ =	shalt  }
0x47: {  	_ =	shalt  }
0x48: {  	_ =	shalt  }
0x49: {  	_ =	shalt  }
0x4a: {  	_ =	shalt  }
0x4b: {  	_ =	shalt  }
0x4c: {  	_ =	shalt  }
0x4d: {  	_ =	shalt  }
0x4e: {  	_ =	shalt  }
0x4f: {  	_ =	shalt  }
0x50: {  	_ =	shalt  }
0x51: {  	_ =	shalt  }
0x52: {  	_ =	shalt  }
0x53: {  	_ =	shalt  }
0x54: {  	_ =	shalt  }
0x55: {  	_ =	shalt  }
0x56: {  	_ =	shalt  }
0x57: {  	_ =	shalt  }
0x58: {  	_ =	shalt  }
0x59: {  	_ =	shalt  }
0x5a: {  	_ =	shalt  }
0x5b: {  	_ =	shalt  }
0x5c: {  	_ =	shalt  }
0x5d: {  	_ =	shalt  }
0x5e: {  	_ =	shalt  }
0x5f: {  	_ =	shalt  }
0x60: {  	_ =	shalt  }
0x61: {  	_ =	shalt  }
0x62: {  	_ =	shalt  }
0x63: {  	_ =	shalt  }
0x64: {  	_ =	shalt  }
0x65: {  	_ =	shalt  }
0x66: {  	_ =	shalt  }
0x67: {  	_ =	shalt  }
0x68: {  	_ =	shalt  }
0x69: {  	_ =	shalt  }
0x6a: {  	_ =	shalt  }
0x6b: {  	_ =	shalt  }
0x6c: {  	_ =	shalt  }
0x6d: {  	_ =	shalt  }
0x6e: {  	_ =	shalt  }
0x6f: {  	_ =	shalt  }
0x70: {  	_ =	shalt  }
0x71: {  	_ =	shalt  }
0x72: {  	_ =	shalt  }
0x73: {  	_ =	shalt  }
0x74: {  	_ =	shalt  }
0x75: {  	_ =	shalt  }
0x76: {  	_ =	shalt  }
0x77: {  	_ =	shalt  }
0x78: {  	_ =	shalt  }
0x79: {  	_ =	shalt  }
0x7a: {  	_ =	shalt  }
0x7b: {  	_ =	shalt  }
0x7c: {  	_ =	shalt  }
0x7d: {  	_ =	shalt  }
0x7e: {  	_ =	shalt  }
0x7f: {  	_ =	shalt  }
0x80: {  	_ =	shalt  }
0x81: {  	_ =	shalt  }
0x82: {  	_ =	shalt  }
0x83: {  	_ =	shalt  }
0x84: {  	_ =	shalt  }
0x85: {  	_ =	shalt  }
0x86: {  	_ =	shalt  }
0x87: {  	_ =	shalt  }
.Lfunc_end0:
.L_simem_size_0:
called_computation.2_lowered:
.L_overlay_start_0:
0x88: {  	s2 =	sld [smem:$0x3FD9]  }
0x89: {  	s3 =	sld [smem:$0x3FFE];
	_ =	sdelay $0x1  }
0x8a: {  	s1 =	srdreg.scid  }
0x8b: {  	s0 =	sand.u32 $0x1, s1  }
0x8c: {  	s17 =	sshll.u32 s0, $0xA;
	s2 =	sadd.s32 s3, s2  }
0x8d: {  	s2 =	sadd.s32 s2, s17  }
0x8e: {  	[smem:$0x3FC5] =	sst s2  }
0x8f: {  	_ = 	snop  }
0x90: {  	(tm) =	ssettm $0x1  }
0x91: {  	s18 =	sld [smem:$0x3FFB];
	_ =	sdelay $0x3  }
0x92: {  	_ =	strace s18  }
0x93: {  	s2 =	sld [smem:$0x3FFC];
	_ =	sdelay $0x3  }
0x94: {  	_ =	strace s2  }
0x95: {  	s2 =	sld [smem:$0x3FFD];
	_ =	sdelay $0x3  }
0x96: {  	_ =	strace s2  }
0x97: {  	_ =	strace $0x8FFFFFFF  }
0x98: {  	s19 =	sld [smem:$0x3FDB];
	_ =	sdelay $0x1  }
0x99: {  	s20 =	simm.s32 $_scs_section_size  }
0x9a: {  	s4 =	simm.s32 $_size__tile_overlayer_lowered;
	s5 =	simm.s32 $_tile_overlayer_lowered  }
0x9b: {  	s6 =	simm.s32 $0x1BFF;
	s21 =	sshll.u32 s5, $0x1;
	s3 =	sadd.s32 s20, s19  }
0x9c: {  	s22 =	simm.s32 $0x0;
	s4 =	sshll.u32 s4, $0x1;
	s5 =	sadd.s32 s21, s3  }
0x9d: {  	[timem:s22], [sflag:s6] =	dma.local [hbm:s5], s4  }
0x9e: {  	_ =	swait.ge [sflag:s6], s4  }
0x9f: {  	s4 =	ssub.s32 $0x0, s4;
	[sflag:s6] =	ssyncset.done $0x0  }
0xa0: {  	[sflag:s6] =	ssyncadd.s32 s4;
	_ =	sdelay $0x1  }
0xa1: {  	s23 =	simm.s32 $0x1B8B  }
0xa2: {  	_ =	swait.ge [sflag:s23], $0x1  }
0xa3: {  	[sflag:s23] =	ssyncset.done $0x0  }
0xa4: {  	[sflag:s23] =	ssyncadd.s32 $0xFFFFFFFF  }
0xa5: {  	s4 =	sld [smem:$0x0]  }
0xa6: {  	s5 =	sand.u32 $0xFFFFFFFE, s1  }
0xa7: {  	p0 =	sne.s32 s1, s5  }
0xa8: {  	s5 =	sshll.u32 @p0 s5, $0xE  }
0xa9: {  	s5 =	sadd.s32 @p0 $0x11B8D, s5;
	s6 =	sshll.u32 @p0 s4, $0x11  }
0xaa: {  	s5 =	sor.u32 @p0 s6, s5  }
0xab: {  	[sflag:s5] =	ssyncadd.remote.s32 @p0 $0x1;
	_ =	sdelay $0x1  }
0xac: {  	s5 =	simm.s32 @p0 $0x1B8D  }
0xad: {  	_ =	swait.eq @p0 [sflag:s5], $0x1  }
0xae: {  	[sflag:s5] =	ssyncadd.s32 @p0 $0xFFFFFFFF  }
0xaf: {  	s6 =	sshll.u32 @!p0 s1, $0xE  }
0xb0: {  	s6 =	sor.u32 @!p0 $0x4000, s6;
	s5 =	simm.s32 @!p0 $0x1B8D  }
0xb1: {  	s4 =	sshll.u32 @!p0 s4, $0x11;
	s6 =	sadd.s32 @!p0 $0x11B8D, s6;
	_ =	swait.eq @!p0 [sflag:s5], $0x1  }
0xb2: {  	s4 =	sor.u32 @!p0 s4, s6;
	[sflag:s5] =	ssyncadd.s32 @!p0 $0xFFFFFFFF  }
0xb3: {  	s25 =	simm.s32 $0x1B8E;
	s24 =	sld [smem:$0x3FFE];
	[sflag:s4] =	ssyncadd.remote.s32 @!p0 $0x1  }
0xb4: {  	s26 =	simm.s32 $execute0_lowered;
	[smem:$0x3FD2] =	sst s25  }
0xb5: {  	s5 =	sshll.u32 s26, $0x1;
	_ =	strace $0x8000004C;
	[dreg:$0x1] =	wrdreg $0xFFFFFFFF  }
0xb6: {  	s28 =	simm.s32 $_size_execute0_lowered;
	s3 =	sadd.s32 s3, s5;
	[dreg:$0x0] =	wrdreg $0x0  }
0xb7: {  	s5 =	sshll.u32 s28, $0x1;
	[dreg:$0x2] =	wrdreg s3  }
0xb8: {  	[dreg:$0x3] =	wrdreg s5  }
0xb9: {  	[dreg:$0x4] =	wrdreg $0xC0  }
0xba: {  	_ =	task [dreg:s22], $0x5FFFF  }
0xbb: {  	[dreg:$0x1] =	wrdreg $0xFFFFFFFF  }
0xbc: {  	[dreg:$0x0] =	wrdreg $0x60  }
0xbd: {  	[dreg:$0x2] =	wrdreg s24  }
0xbe: {  	[dreg:$0x3] =	wrdreg $0xB  }
0xbf: {  	_ =	task.clear_ibuf [dreg:s22], $0x4FFFF;
	_ =	strace $0x9000004C  }
0xc0: {  	s29 =	simm.s32 $0xB;
	_ =	strace $0x8000004E  }
0xc1: {  	_ =	swait.ge [sflag:s29], $0x1  }
0xc2: {  	[sflag:s29] =	ssyncadd.s32 $0xFFFFFFFF  }
0xc3: {  	_ =	strace $0x9000004E  }
0xc4: {  	_ =	sfence  }
0xc5: {  	s30 =	sld [smem:$0x0];
	_ =	sdelay $0x2  }
0xc6: {  	s31 =	sshll.u32 s1, $0xD;
	s1 =	sshrl.u32 s1, $0x2  }
0xc7: {  	s4 =	sand.u32 $0x4000, s31;
	s1 =	sadd.s32 s1, s30  }
0xc8: {  	s0 =	sor.u32 s4, s0;
	s1 =	sshll.u32 s1, $0x11  }
0xc9: {  	s0 =	sor.u32 s1, s0  }
0xca: {  	s0 =	sadd.s32 $0x8F2B, s0  }
0xcb: {  	[sflag:s0] =	ssyncadd.remote.s32 $0x1  }
0xcc: {  	_ =	sfence.sel $0xFFFF  }
0xcd: {  	[dreg:$0x0] =	wrdreg $0xFFFFFFFF;
	(pc) =	sbr.abs _section_cstart, $3  }
0xce: {  	[dreg:$0x1] =	wrdreg $0xFFFFFFFF  }
0xcf: {  	_ =	task.clear_ibuf [dreg:s22], $0x2FFFF;
	_ =	strace $0x9FFFFFFF  }
0xd0: {  	(tm) =	ssettm $0x7FFFFFFF  }
0xd1: {  	_ =	shalt  }
tec
execute0_lowered:
.L_overlay_start_1:
0x0: {  	(tag) =	ssettag $0x1  }
0x1: {  	s1 =	srdreg.scid  }
0x2: {  	s0 =	stileid.u32;
	s4 =	rddreg [dreg:$0x0]  }
0x3: {  	s2 =	simm.s32 $0x0;
	s10 =	simm.s32 $0x1;
	s11 =	simm.s32 $0x20  }
0x4: {  	s5 =	sand.u32 $0x1, s1;
	s3 =	sshll.u32 s0, $0x1;
	s1 =	rddreg [dreg:$0x1]  }
0x5: {  	s12 =	simm.s32 $0x0;
	[smem:$0x7FF] =	sst s2;
	s6 =	sor.u32 s5, s3  }
0x6: {  	s5 =	ssub.s32 $0x2, s5;
	s3 =	sand.u32 $0x7, s6;
	s6 =	smul.u32 $0x1A0, s6  }
0x7: {  	s9 =	sand.u32 $0xC, s0;
	s8 =	sshrl.u32 s5, $0x1;
	s7 =	smul.u32 $0xD000, s3  }
0x8: {  	_ =	strace $0x8000004D;
	s3 =	sadd.s32 $0x11600, s4;
	s5 =	ssub.s32 s5, s8  }
0x9: {  	s8 =	simm.s32 $0x80;
	s7 =	sadd.s32 s7, s4;
	s4 =	sadd.s32 s6, s4  }
0xa: {  	s5 =	smax.u32 s5, $0x1;
	s31 =	sadd.s32 s9, s7;
	s4 =	sadd.s32 $0x5600, s4  }
0xb: {  	s7 =	simm.s32 $0x2;
	s9 =	simm.s32 $0xD00;
	s6 =	sadd.s32 $0x451600, s31  }
.LBB2_1:
0xc: {  	[tilespmem:s2], [sflag:$0x2] =	stream.linear.gather [hbm4b:s4+s2], $0xD00, $0x38;
	[tilespmem:$0x1D00] =	vst v63  }
0xd: {  	_ =	swait.ge [sflag:s7], $0xD00  }
0xe: {  	[sflag:s7] =	ssyncset.done $0x0  }
0xf: {  	s13 =	simm.s32 $0x0;
	[sflag:s7] =	ssyncadd.s32 $0xFFFFF300  }
0x10: {  	[tilespmem:s9], [sflag:$0x1] =	stream.indirect.gather [hbm4b:s3+s8], $0x20, s13, s8, $0xb8;
	[tilespmem:$0x1D00] =	vst v63  }
0x11: {  	_ =	swait.ge [sflag:s10], $0x1000  }
0x12: {  	[sflag:s10] =	ssyncset.done $0x0  }
0x13: {  	[sflag:s10] =	ssyncadd.s32 $0xFFFFF000  }
0x14: {  	[hbm4b:s6+s11] =	stream.strided.scatter [tilespmem:s9], [sflag:$0x2], $0x1000, s8, s11, $0x38;
	[tilespmem:$0x1D00] =	vst v63  }
0x15: {  	s14 =	simm.s32 $0x200;
	_ =	swait.ge [sflag:s7], $0x1000  }
0x16: {  	s15 =	simm.s32 $0x400;
	s13 =	sadd.s32 $0x800, s6;
	[sflag:s7] =	ssyncset.done $0x0  }
.LBB2_2:
0x17: {  	s16 =	sshra.s32 s14, $0x2  }
0x18: {  	[sflag:s7] =	ssyncadd.s32 $0xFFFFF000;
	s14 =	smov.u32 s15;
	s17 =	sadd.s32 $0x200, s15  }
0x19: {  	[tilespmem:s9], [sflag:$0x1] =	stream.indirect.gather [hbm4b:s3+s8], $0x20, s16, s8, $0xb8;
	[tilespmem:$0x1D00] =	vst v63  }
0x1a: {  	p0 =	sne.s32 s15, $0x3200;
	_ =	swait.ge [sflag:s10], $0x1000  }
.Ltmp0:
0x1b: {  	[sflag:s10] =	ssyncset.done $0x0;
	(pc) =	sbr.rel @p0 .LBB2_2-.Ltmp0, $4  }
0x1c: {  	[sflag:s10] =	ssyncadd.s32 $0xFFFFF000  }
0x1d: {  	[hbm4b:s13+s11] =	stream.strided.scatter [tilespmem:s9], [sflag:$0x2], $0x1000, s8, s11, $0x38;
	[tilespmem:$0x1D00] =	vst v63  }
0x1e: {  	_ =	swait.ge [sflag:s7], $0x1000  }
0x1f: {  	s15 =	smov.u32 s17;
	s13 =	sadd.s32 $0x800, s13;
	[sflag:s7] =	ssyncset.done $0x0  }
0x20: {  	s14 =	sshra.s32 s14, $0x2;
	[sflag:s7] =	ssyncadd.s32 $0xFFFFF000  }
0x21: {  	[tilespmem:s9], [sflag:$0x1] =	stream.indirect.gather [hbm4b:s3+s8], $0x20, s14, s8, $0xb8;
	[tilespmem:$0x1D00] =	vst v63  }
0x22: {  	s12 =	sadd.s32 $0x1, s12;
	_ =	swait.ge [sflag:s10], $0x1000  }
0x23: {  	p0 =	sne.s32 s12, s5;
	[sflag:s10] =	ssyncset.done $0x0  }
.Ltmp1:
0x24: {  	[sflag:s10] =	ssyncadd.s32 $0xFFFFF000;
	(pc) =	sbr.rel @p0 .LBB2_1-.Ltmp1, $4  }
0x25: {  	[hbm4b:s13+s11] =	stream.strided.scatter [tilespmem:s9], [sflag:$0x2], $0x1000, s8, s11, $0x38;
	[tilespmem:$0x1D00] =	vst v63  }
0x26: {  	_ =	swait.ge [sflag:s7], $0x1000  }
0x27: {  	[sflag:s7] =	ssyncset.done $0x0  }
0x28: {  	[sflag:s7] =	ssyncadd.s32 $0xFFFFF000  }
0x29: {  	_ =	sfence.sel $0x180000  }
0x2a: {  	[bflag:$0x0] =	sbarrier.arrive $0xFFFF  }
0x2b: {  	p0 =	sne.s32 s0, $0x0;
	_ =	strace $0x9000004D  }
0x2c: {  	s0 =	sadd.s32 @!p0 $0x100000, s1;
	[bflag:$0x2] =	sbarrier.arrive $0xFFFF  }
0x2d: {  	[sflag:s0] =	ssyncadd.tile.s32 @!p0 $0x1;
	_ =	shalt  }
.Lfunc_end2:
_tile_overlayer_lowered:
.L_overlay_start_2:
0x2e: {  	(tag) =	ssettag $0x2  }
0x2f: {  	s0 =	rddreg [dreg:$0x0];
	s2 =	stileid.u32  }
0x30: {  	s1 =	rddreg [dreg:$0x1];
	p0 =	sne.s32 s2, $0x0  }
0x31: {  	s3 =	rddreg [dreg:$0x2];
	[bflag:$0x3] =	sbarrier.arrive $0xFFFF;
	s2 =	simm.s32 @!p0 $0x1C02  }
0x32: {  	[timem:s3], [sflag:s2] =	dma.local @!p0 [hbm:s0], s1  }
0x33: {  	s0 =	simm.s32 @!p0 $0x2  }
0x34: {  	_ =	swait.ge @!p0 [sflag:s0], s1  }
0x35: {  	s1 =	ssub.s32 @!p0 $0x0, s1;
	[sflag:s0] =	ssyncset.done @!p0 $0x0  }
0x36: {  	[sflag:s0] =	ssyncadd.s32 @!p0 s1  }
0x37: {  	[bflag:$0x3] =	sbarrier.arrive $0xFFFF  }
0x38: {  	_ =	shalt  }

// kernel: kernel.20.cloned.1.call-start
scs
__scs_entry_jumppad:
0x0: {  	(pc) =	sbr.rel $0x88, $3  }
0x1: {  	(tag) =	ssettag $0x0;
	lr =	simm.s32 $0x1  }
0x2: {  	[smem:$0x3F9E] =	sst lr;
	_ =	strace $0xD0000000  }
0x3: {  	_ = 	snop  }
0x4: {  	_ = 	snop  }
0x5: {  	_ = 	snop  }
0x6: {  	_ = 	snop  }
0x7: {  	_ = 	snop  }
__scs_overlays_trampoline_lowered:
0x8: {  	[smem:$0x3FAD] =	sst s0  }
0x9: {  	[smem:$0x3FAE] =	sst s1  }
0xa: {  	[smem:$0x3FAF] =	sst s2  }
0xb: {  	[smem:$0x3FB0] =	sst s3  }
0xc: {  	[smem:$0x3FB1] =	sst s4  }
0xd: {  	[smem:$0x3FB2] =	sst s5  }
0xe: {  	[smem:$0x3FB3] =	sst s6  }
0xf: {  	[smem:$0x3FB4] =	sst s7  }
0x10: {  	[smem:$0x3FB5] =	sst s8  }
0x11: {  	[smem:$0x3FB6] =	sst s9;
	s0 =	simm.s32 @!p0 $0x0  }
0x12: {  	s1 =	sld [smem:$0x3F9C];
	s0 =	simm.s32 @p0 $0x1  }
0x13: {  	[smem:$0x3FB7] =	sst s0;
	s0 =	simm.s32 @!p1 $0x0  }
0x14: {  	s2 =	sld [smem:$0x3F9B];
	s0 =	simm.s32 @p1 $0x1  }
0x15: {  	[smem:$0x3FB8] =	sst s0;
	s0 =	simm.s32 @!p2 $0x0  }
0x16: {  	s3 =	sld [smem:$0x3FDB];
	s0 =	simm.s32 @p2 $0x1  }
0x17: {  	s4 =	simm.s32 $0x1BF5;
	[smem:$0x3FBA] =	sst s0  }
0x18: {  	s0 =	sld [smem:$0x3F9D];
	_ =	swait.ge [sflag:s4], $0x0  }
0x19: {  	s7 =	sld [smem:$0x3F9E]  }
0x1a: {  	s8 =	sadd.s32 $0xFFFFE003, lr  }
0x1b: {  	s9 =	sadd.s32 $0xFFFFFEF7, lr;
	s5 =	simm.s32 $0xFFFFFFFF;
	p2 =	slt.u32 s8, $0xFFFFF086  }
0x1c: {  	p1 =	slt.u32 s9, $0xF7A;
	s5 =	simm.s32 @!p2 $0x0  }
0x1d: {  	s5 =	simm.s32 @p1 $0x1;
	p0 =	seq.s32 s7, s2  }
0x1e: {  	s7 =	smul.u32 @!p0 $0xF7A, s2;
	p2 =	seq.s32 @!p0 s5, $0x0  }
0x1f: {  	s9 =	smul.u32 $0xF7A, s1;
	s8 =	simm.s32 @!p0 $0x1BF5;
	p2 =	por !p2, p0  }
0x20: {  	[sflag:s8] =	ssyncset.s32 @!p0 $0xFFFFF086;
	s6 =	sadd.s32 @!p0 s3, s7;
	s7 =	simm.s32 @!p0 $0x108  }
0x21: {  	s3 =	sadd.s32 s3, s9;
	s6 =	sadd.s32 @!p0 $0x88, s6;
	s7 =	simm.s32 @p2 $0x1082  }
0x22: {  	[simem:s7], [sflag:s8] =	dma.local @!p0 [hbm:s6], $0xF7A  }
0x23: {  	s9 =	sor.u32 $0xD0000000, s2;
	s6 =	simm.s32 $0x108;
	_ =	swait.ge @!p0 [sflag:s8], $0x0  }
0x24: {  	s3 =	sadd.s32 $0x88, s3;
	s6 =	simm.s32 @!p1 $0x1082;
	[sflag:s4] =	ssyncset.s32 $0xFFFFF086  }
0x25: {  	[simem:s6], [sflag:s4] =	dma.local [hbm:s3], $0xF7A  }
0x26: {  	[smem:$0x3F9E] =	sst s1;
	(tag) =	ssettag s2;
	_ =	strace s9  }
0x27: {  	s1 =	sld [smem:$0x3FAE]  }
0x28: {  	s2 =	sld [smem:$0x3FAF]  }
0x29: {  	s4 =	sld [smem:$0x3FB1]  }
0x2a: {  	p0 =	seq.s32 s5, $0x0;
	s5 =	sld [smem:$0x3FB2]  }
0x2b: {  	s6 =	sld [smem:$0x3FB3]  }
0x2c: {  	s7 =	sld [smem:$0x3FB4]  }
0x2d: {  	s3 =	simm.s32 $0x108;
	s8 =	sld [smem:$0x3FB5]  }
0x2e: {  	s3 =	simm.s32 @!p0 $0x1082;
	s9 =	sld [smem:$0x3FB6]  }
0x2f: {  	lr =	sadd.s32 s0, s3;
	s0 =	sld [smem:$0x3FAD]  }
0x30: {  	s3 =	sld [smem:$0x3FB0]  }
0x31: {  	[smem:$0x3FB9] =	sst s10  }
0x32: {  	s10 =	sld [smem:$0x3FB7];
	_ =	sdelay $0x3  }
0x33: {  	p0 =	seq.s32 s10, $0x1;
	s10 =	sld [smem:$0x3FB9];
	_ =	sdelay $0x3  }
0x34: {  	[smem:$0x3FB9] =	sst s10  }
0x35: {  	s10 =	sld [smem:$0x3FB8];
	_ =	sdelay $0x3  }
0x36: {  	p1 =	seq.s32 s10, $0x1;
	s10 =	sld [smem:$0x3FB9];
	_ =	sdelay $0x3  }
0x37: {  	[smem:$0x3FB9] =	sst s10  }
0x38: {  	s10 =	sld [smem:$0x3FBA]  }
0x39: {  	_ = 	snop;
	(pc) =	sbr.ind lr, $3  }
0x3a: {  	_ = 	snop  }
0x3b: {  	_ = 	snop  }
0x3c: {  	p2 =	seq.s32 s10, $0x1;
	s10 =	sld [smem:$0x3FB9]  }
0x3d: {  	_ =	shalt  }
0x3e: {  	_ =	shalt  }
0x3f: {  	_ =	shalt  }
0x40: {  	_ =	shalt  }
0x41: {  	_ =	shalt  }
0x42: {  	_ =	shalt  }
0x43: {  	_ =	shalt  }
0x44: {  	_ =	shalt  }
0x45: {  	_ =	shalt  }
0x46: {  	_ =	shalt  }
0x47: {  	_ =	shalt  }
0x48: {  	_ =	shalt  }
0x49: {  	_ =	shalt  }
0x4a: {  	_ =	shalt  }
0x4b: {  	_ =	shalt  }
0x4c: {  	_ =	shalt  }
0x4d: {  	_ =	shalt  }
0x4e: {  	_ =	shalt  }
0x4f: {  	_ =	shalt  }
0x50: {  	_ =	shalt  }
0x51: {  	_ =	shalt  }
0x52: {  	_ =	shalt  }
0x53: {  	_ =	shalt  }
0x54: {  	_ =	shalt  }
0x55: {  	_ =	shalt  }
0x56: {  	_ =	shalt  }
0x57: {  	_ =	shalt  }
0x58: {  	_ =	shalt  }
0x59: {  	_ =	shalt  }
0x5a: {  	_ =	shalt  }
0x5b: {  	_ =	shalt  }
0x5c: {  	_ =	shalt  }
0x5d: {  	_ =	shalt  }
0x5e: {  	_ =	shalt  }
0x5f: {  	_ =	shalt  }
0x60: {  	_ =	shalt  }
0x61: {  	_ =	shalt  }
0x62: {  	_ =	shalt  }
0x63: {  	_ =	shalt  }
0x64: {  	_ =	shalt  }
0x65: {  	_ =	shalt  }
0x66: {  	_ =	shalt  }
0x67: {  	_ =	shalt  }
0x68: {  	_ =	shalt  }
0x69: {  	_ =	shalt  }
0x6a: {  	_ =	shalt  }
0x6b: {  	_ =	shalt  }
0x6c: {  	_ =	shalt  }
0x6d: {  	_ =	shalt  }
0x6e: {  	_ =	shalt  }
0x6f: {  	_ =	shalt  }
0x70: {  	_ =	shalt  }
0x71: {  	_ =	shalt  }
0x72: {  	_ =	shalt  }
0x73: {  	_ =	shalt  }
0x74: {  	_ =	shalt  }
0x75: {  	_ =	shalt  }
0x76: {  	_ =	shalt  }
0x77: {  	_ =	shalt  }
0x78: {  	_ =	shalt  }
0x79: {  	_ =	shalt  }
0x7a: {  	_ =	shalt  }
0x7b: {  	_ =	shalt  }
0x7c: {  	_ =	shalt  }
0x7d: {  	_ =	shalt  }
0x7e: {  	_ =	shalt  }
0x7f: {  	_ =	shalt  }
0x80: {  	_ =	shalt  }
0x81: {  	_ =	shalt  }
0x82: {  	_ =	shalt  }
0x83: {  	_ =	shalt  }
0x84: {  	_ =	shalt  }
0x85: {  	_ =	shalt  }
0x86: {  	_ =	shalt  }
0x87: {  	_ =	shalt  }
.Lfunc_end0:
.L_simem_size_0:
called_computation.3_lowered:
.L_overlay_start_0:
0x88: {  	s2 =	sld [smem:$0x3FD9]  }
0x89: {  	s3 =	sld [smem:$0x3FFE];
	_ =	sdelay $0x1  }
0x8a: {  	s1 =	srdreg.scid  }
0x8b: {  	s0 =	sand.u32 $0x1, s1  }
0x8c: {  	s17 =	sshll.u32 s0, $0xA;
	s2 =	sadd.s32 s3, s2  }
0x8d: {  	s2 =	sadd.s32 s2, s17  }
0x8e: {  	[smem:$0x3FC5] =	sst s2  }
0x8f: {  	_ = 	snop  }
0x90: {  	(tm) =	ssettm $0x1  }
0x91: {  	s18 =	sld [smem:$0x3FFB];
	_ =	sdelay $0x3  }
0x92: {  	_ =	strace s18  }
0x93: {  	s2 =	sld [smem:$0x3FFC];
	_ =	sdelay $0x3  }
0x94: {  	_ =	strace s2  }
0x95: {  	s2 =	sld [smem:$0x3FFD];
	_ =	sdelay $0x3  }
0x96: {  	_ =	strace s2  }
0x97: {  	_ =	strace $0x8FFFFFFF  }
0x98: {  	s19 =	sld [smem:$0x3FDB];
	_ =	sdelay $0x1  }
0x99: {  	s20 =	simm.s32 $_scs_section_size  }
0x9a: {  	s4 =	simm.s32 $_size__tile_overlayer_lowered;
	s5 =	simm.s32 $_tile_overlayer_lowered  }
0x9b: {  	s6 =	simm.s32 $0x1BFF;
	s21 =	sshll.u32 s5, $0x1;
	s3 =	sadd.s32 s20, s19  }
0x9c: {  	s22 =	simm.s32 $0x0;
	s4 =	sshll.u32 s4, $0x1;
	s5 =	sadd.s32 s21, s3  }
0x9d: {  	[timem:s22], [sflag:s6] =	dma.local [hbm:s5], s4  }
0x9e: {  	_ =	swait.ge [sflag:s6], s4  }
0x9f: {  	s4 =	ssub.s32 $0x0, s4;
	[sflag:s6] =	ssyncset.done $0x0  }
0xa0: {  	[sflag:s6] =	ssyncadd.s32 s4;
	_ =	sdelay $0x1  }
0xa1: {  	s23 =	simm.s32 $0x1B8B  }
0xa2: {  	_ =	swait.ge [sflag:s23], $0x1  }
0xa3: {  	[sflag:s23] =	ssyncset.done $0x0  }
0xa4: {  	[sflag:s23] =	ssyncadd.s32 $0xFFFFFFFF  }
0xa5: {  	s4 =	sld [smem:$0x0]  }
0xa6: {  	s5 =	sand.u32 $0xFFFFFFFE, s1  }
0xa7: {  	p0 =	sne.s32 s1, s5  }
0xa8: {  	s5 =	sshll.u32 @p0 s5, $0xE  }
0xa9: {  	s5 =	sadd.s32 @p0 $0x11B8D, s5;
	s6 =	sshll.u32 @p0 s4, $0x11  }
0xaa: {  	s5 =	sor.u32 @p0 s6, s5  }
0xab: {  	[sflag:s5] =	ssyncadd.remote.s32 @p0 $0x1;
	_ =	sdelay $0x1  }
0xac: {  	s5 =	simm.s32 @p0 $0x1B8D  }
0xad: {  	_ =	swait.eq @p0 [sflag:s5], $0x1  }
0xae: {  	[sflag:s5] =	ssyncadd.s32 @p0 $0xFFFFFFFF  }
0xaf: {  	s6 =	sshll.u32 @!p0 s1, $0xE  }
0xb0: {  	s6 =	sor.u32 @!p0 $0x4000, s6;
	s5 =	simm.s32 @!p0 $0x1B8D  }
0xb1: {  	s4 =	sshll.u32 @!p0 s4, $0x11;
	s6 =	sadd.s32 @!p0 $0x11B8D, s6;
	_ =	swait.eq @!p0 [sflag:s5], $0x1  }
0xb2: {  	s4 =	sor.u32 @!p0 s4, s6;
	[sflag:s5] =	ssyncadd.s32 @!p0 $0xFFFFFFFF  }
0xb3: {  	s25 =	simm.s32 $0x1B8E;
	s24 =	sld [smem:$0x3FFE];
	[sflag:s4] =	ssyncadd.remote.s32 @!p0 $0x1  }
0xb4: {  	s26 =	simm.s32 $execute0_lowered;
	[smem:$0x3FD2] =	sst s25  }
0xb5: {  	s5 =	sshll.u32 s26, $0x1;
	_ =	strace $0x8000004F;
	[dreg:$0x1] =	wrdreg $0xFFFFFFFF  }
0xb6: {  	s28 =	simm.s32 $_size_execute0_lowered;
	s3 =	sadd.s32 s3, s5;
	[dreg:$0x0] =	wrdreg $0x0  }
0xb7: {  	s5 =	sshll.u32 s28, $0x1;
	[dreg:$0x2] =	wrdreg s3  }
0xb8: {  	[dreg:$0x3] =	wrdreg s5  }
0xb9: {  	[dreg:$0x4] =	wrdreg $0xC0  }
0xba: {  	_ =	task [dreg:s22], $0x5FFFF  }
0xbb: {  	[dreg:$0x1] =	wrdreg $0xFFFFFFFF  }
0xbc: {  	[dreg:$0x0] =	wrdreg $0x60  }
0xbd: {  	[dreg:$0x2] =	wrdreg s24  }
0xbe: {  	[dreg:$0x3] =	wrdreg $0xC  }
0xbf: {  	_ =	task.clear_ibuf [dreg:s22], $0x4FFFF;
	_ =	strace $0x9000004F  }
0xc0: {  	s29 =	simm.s32 $0xC;
	_ =	strace $0x80000051  }
0xc1: {  	_ =	swait.ge [sflag:s29], $0x1  }
0xc2: {  	[sflag:s29] =	ssyncadd.s32 $0xFFFFFFFF  }
0xc3: {  	_ =	strace $0x90000051  }
0xc4: {  	_ =	sfence  }
0xc5: {  	s30 =	sld [smem:$0x0];
	_ =	sdelay $0x2  }
0xc6: {  	s31 =	sshll.u32 s1, $0xD;
	s1 =	sshrl.u32 s1, $0x2  }
0xc7: {  	s4 =	sand.u32 $0x4000, s31;
	s1 =	sadd.s32 s1, s30  }
0xc8: {  	s0 =	sor.u32 s4, s0;
	s1 =	sshll.u32 s1, $0x11  }
0xc9: {  	s0 =	sor.u32 s1, s0  }
0xca: {  	s0 =	sadd.s32 $0x8F2B, s0  }
0xcb: {  	[sflag:s0] =	ssyncadd.remote.s32 $0x1  }
0xcc: {  	_ =	sfence.sel $0xFFFF  }
0xcd: {  	[dreg:$0x0] =	wrdreg $0xFFFFFFFF;
	(pc) =	sbr.abs _section_cstart, $3  }
0xce: {  	[dreg:$0x1] =	wrdreg $0xFFFFFFFF  }
0xcf: {  	_ =	task.clear_ibuf [dreg:s22], $0x2FFFF;
	_ =	strace $0x9FFFFFFF  }
0xd0: {  	(tm) =	ssettm $0x7FFFFFFF  }
0xd1: {  	_ =	shalt  }
tec
execute0_lowered:
.L_overlay_start_1:
0x0: {  	(tag) =	ssettag $0x1  }
0x1: {  	s1 =	srdreg.scid  }
0x2: {  	s0 =	stileid.u32;
	s4 =	rddreg [dreg:$0x0]  }
0x3: {  	s2 =	simm.s32 $0x0;
	s10 =	simm.s32 $0x1;
	s11 =	simm.s32 $0x20  }
0x4: {  	s5 =	sand.u32 $0x1, s1;
	s3 =	sshll.u32 s0, $0x1;
	s1 =	rddreg [dreg:$0x1]  }
0x5: {  	s12 =	simm.s32 $0x0;
	[smem:$0x7FF] =	sst s2;
	s6 =	sor.u32 s5, s3  }
0x6: {  	s5 =	ssub.s32 $0x2, s5;
	s3 =	sand.u32 $0x7, s6;
	s6 =	smul.u32 $0x1A0, s6  }
0x7: {  	s9 =	sand.u32 $0xC, s0;
	s8 =	sshrl.u32 s5, $0x1;
	s7 =	smul.u32 $0xD000, s3  }
0x8: {  	_ =	strace $0x80000050;
	s3 =	sadd.s32 $0x11600, s4;
	s5 =	ssub.s32 s5, s8  }
0x9: {  	s8 =	simm.s32 $0x80;
	s7 =	sadd.s32 s7, s4;
	s4 =	sadd.s32 s6, s4  }
0xa: {  	s5 =	smax.u32 s5, $0x1;
	s31 =	sadd.s32 s9, s7;
	s4 =	sadd.s32 $0x8A00, s4  }
0xb: {  	s7 =	simm.s32 $0x2;
	s9 =	simm.s32 $0xD00;
	s6 =	sadd.s32 $0x4B9600, s31  }
.LBB2_1:
0xc: {  	[tilespmem:s2], [sflag:$0x2] =	stream.linear.gather [hbm4b:s4+s2], $0xD00, $0x38;
	[tilespmem:$0x1D00] =	vst v63  }
0xd: {  	_ =	swait.ge [sflag:s7], $0xD00  }
0xe: {  	[sflag:s7] =	ssyncset.done $0x0  }
0xf: {  	s13 =	simm.s32 $0x0;
	[sflag:s7] =	ssyncadd.s32 $0xFFFFF300  }
0x10: {  	[tilespmem:s9], [sflag:$0x1] =	stream.indirect.gather [hbm4b:s3+s8], $0x20, s13, s8, $0xb8;
	[tilespmem:$0x1D00] =	vst v63  }
0x11: {  	_ =	swait.ge [sflag:s10], $0x1000  }
0x12: {  	[sflag:s10] =	ssyncset.done $0x0  }
0x13: {  	[sflag:s10] =	ssyncadd.s32 $0xFFFFF000  }
0x14: {  	[hbm4b:s6+s11] =	stream.strided.scatter [tilespmem:s9], [sflag:$0x2], $0x1000, s8, s11, $0x38;
	[tilespmem:$0x1D00] =	vst v63  }
0x15: {  	s14 =	simm.s32 $0x200;
	_ =	swait.ge [sflag:s7], $0x1000  }
0x16: {  	s15 =	simm.s32 $0x400;
	s13 =	sadd.s32 $0x800, s6;
	[sflag:s7] =	ssyncset.done $0x0  }
.LBB2_2:
0x17: {  	s16 =	sshra.s32 s14, $0x2  }
0x18: {  	[sflag:s7] =	ssyncadd.s32 $0xFFFFF000;
	s14 =	smov.u32 s15;
	s17 =	sadd.s32 $0x200, s15  }
0x19: {  	[tilespmem:s9], [sflag:$0x1] =	stream.indirect.gather [hbm4b:s3+s8], $0x20, s16, s8, $0xb8;
	[tilespmem:$0x1D00] =	vst v63  }
0x1a: {  	p0 =	sne.s32 s15, $0x3200;
	_ =	swait.ge [sflag:s10], $0x1000  }
.Ltmp0:
0x1b: {  	[sflag:s10] =	ssyncset.done $0x0;
	(pc) =	sbr.rel @p0 .LBB2_2-.Ltmp0, $4  }
0x1c: {  	[sflag:s10] =	ssyncadd.s32 $0xFFFFF000  }
0x1d: {  	[hbm4b:s13+s11] =	stream.strided.scatter [tilespmem:s9], [sflag:$0x2], $0x1000, s8, s11, $0x38;
	[tilespmem:$0x1D00] =	vst v63  }
0x1e: {  	_ =	swait.ge [sflag:s7], $0x1000  }
0x1f: {  	s15 =	smov.u32 s17;
	s13 =	sadd.s32 $0x800, s13;
	[sflag:s7] =	ssyncset.done $0x0  }
0x20: {  	s14 =	sshra.s32 s14, $0x2;
	[sflag:s7] =	ssyncadd.s32 $0xFFFFF000  }
0x21: {  	[tilespmem:s9], [sflag:$0x1] =	stream.indirect.gather [hbm4b:s3+s8], $0x20, s14, s8, $0xb8;
	[tilespmem:$0x1D00] =	vst v63  }
0x22: {  	s12 =	sadd.s32 $0x1, s12;
	_ =	swait.ge [sflag:s10], $0x1000  }
0x23: {  	p0 =	sne.s32 s12, s5;
	[sflag:s10] =	ssyncset.done $0x0  }
.Ltmp1:
0x24: {  	[sflag:s10] =	ssyncadd.s32 $0xFFFFF000;
	(pc) =	sbr.rel @p0 .LBB2_1-.Ltmp1, $4  }
0x25: {  	[hbm4b:s13+s11] =	stream.strided.scatter [tilespmem:s9], [sflag:$0x2], $0x1000, s8, s11, $0x38;
	[tilespmem:$0x1D00] =	vst v63  }
0x26: {  	_ =	swait.ge [sflag:s7], $0x1000  }
0x27: {  	[sflag:s7] =	ssyncset.done $0x0  }
0x28: {  	[sflag:s7] =	ssyncadd.s32 $0xFFFFF000  }
0x29: {  	_ =	sfence.sel $0x180000  }
0x2a: {  	[bflag:$0x0] =	sbarrier.arrive $0xFFFF  }
0x2b: {  	p0 =	sne.s32 s0, $0x0;
	_ =	strace $0x90000050  }
0x2c: {  	s0 =	sadd.s32 @!p0 $0x100000, s1;
	[bflag:$0x2] =	sbarrier.arrive $0xFFFF  }
0x2d: {  	[sflag:s0] =	ssyncadd.tile.s32 @!p0 $0x1;
	_ =	shalt  }
.Lfunc_end2:
_tile_overlayer_lowered:
.L_overlay_start_2:
0x2e: {  	(tag) =	ssettag $0x2  }
0x2f: {  	s0 =	rddreg [dreg:$0x0];
	s2 =	stileid.u32  }
0x30: {  	s1 =	rddreg [dreg:$0x1];
	p0 =	sne.s32 s2, $0x0  }
0x31: {  	s3 =	rddreg [dreg:$0x2];
	[bflag:$0x3] =	sbarrier.arrive $0xFFFF;
	s2 =	simm.s32 @!p0 $0x1C02  }
0x32: {  	[timem:s3], [sflag:s2] =	dma.local @!p0 [hbm:s0], s1  }
0x33: {  	s0 =	simm.s32 @!p0 $0x2  }
0x34: {  	_ =	swait.ge @!p0 [sflag:s0], s1  }
0x35: {  	s1 =	ssub.s32 @!p0 $0x0, s1;
	[sflag:s0] =	ssyncset.done @!p0 $0x0  }
0x36: {  	[sflag:s0] =	ssyncadd.s32 @!p0 s1  }
0x37: {  	[bflag:$0x3] =	sbarrier.arrive $0xFFFF  }
0x38: {  	_ =	shalt  }

</sc_bundles>
